<compile_context>
chip_gen: v7x
topology: tpu7x:2x2x1
jax: 0.10.2.dev20260603
libtpu: 0.0.44.dev20260713+nightly
codegen_flags: <defaults>
</compile_context>

<pallas_src>
import functools

import jax
import jax.numpy as jnp
from jax import lax
from jax.experimental import pallas as pl
from jax.experimental.pallas import tpu as pltpu
from jax.experimental.pallas import tpu_sc as plsc

_NUM_P = 512
_NUM_B = 4
_D_BLK = 64
_D_MODEL = _NUM_B * _D_BLK
_BN = 32 * 196
_ROWS = 784
_GRID = _BN // _ROWS
_ROW_PAD = 128


def _dist_body(q_ref, wt_ref, idx_ref, loss_ref):
    step = pl.program_id(0)

    @pl.when(step == 0)
    def _init():
        loss_ref[...] = jnp.zeros((1, 1), jnp.float32)

    x = q_ref[...]
    loss = jnp.float32(0.0)
    for i in range(_NUM_B):
        xi = x[:, i * _D_BLK:(i + 1) * _D_BLK]
        wti = wt_ref[:, i * _NUM_P:(i + 1) * _NUM_P]
        w2 = jnp.sum(wti * wti, axis=0)
        s = jnp.dot(xi, wti, preferred_element_type=jnp.float32)
        x2 = jnp.sum(xi * xi, axis=1, keepdims=True)
        d = (x2 - 2.0 * s) + w2[None, :]
        dmin = jnp.min(d, axis=1, keepdims=True)
        cols = lax.broadcasted_iota(jnp.int32, d.shape, 1)
        idx = jnp.min(jnp.where(d == dmin, cols, _NUM_P), axis=1)
        idx_ref[:, i] = idx + i * _NUM_P
        loss = loss + jnp.sum(dmin)
    loss_ref[...] += jnp.reshape(loss, (1, 1))


_dist_call = pl.pallas_call(
    _dist_body,
    grid=(_GRID,),
    in_specs=[
        pl.BlockSpec((_ROWS, _D_MODEL), lambda i: (i, 0)),
        pl.BlockSpec((_D_BLK, _NUM_B * _NUM_P), lambda i: (0, 0)),
    ],
    out_specs=[
        pl.BlockSpec((_ROWS, _NUM_B), lambda i: (i, 0)),
        pl.BlockSpec((1, 1), lambda i: (0, 0)),
    ],
    out_shape=[
        jax.ShapeDtypeStruct((_BN, _NUM_B), jnp.int32),
        jax.ShapeDtypeStruct((1, 1), jnp.float32),
    ],
)


_NC = 2
_NS = 16
_NW = _NC * _NS
_N_IDX = _BN * _NUM_B
_PER_W = _N_IDX // _NW


_TOK_W = _PER_W // _NUM_B
_CH_OFF = (0, 200, 400, 600)
_CH_LEN = (200, 200, 200, 184)


def _gather_body(table_hbm, idx_hbm, out_hbm, idx_v, r0, r1, cmp_v, s0, s1):
    wid = lax.axis_index("s") * _NC + lax.axis_index("c")
    base = wid * _PER_W
    pltpu.sync_copy(idx_hbm.at[pl.ds(base, _PER_W)], idx_v)
    bufs = (r0, r1)
    sems = (s0, s1)

    def _issue(c):
        return pltpu.async_copy(
            table_hbm.at[idx_v.at[pl.ds(_CH_OFF[c], _CH_LEN[c])]],
            bufs[c % 2].at[pl.ds(0, _CH_LEN[c])], sems[c % 2])

    cps = {0: _issue(0), 1: _issue(1)}
    for c in range(4):
        buf = bufs[c % 2]
        cps[c].wait()

        def cbody(t, _):
            for i in range(_NUM_B):
                for k in range(_D_BLK // 16):
                    vec = buf[_NUM_B * t + i, pl.ds(16 * k, 16)]
                    cmp_v[(_CH_OFF[c] // _NUM_B) + t,
                          pl.ds(_D_BLK * i + 16 * k, 16)] = vec
            return 0
        lax.fori_loop(0, _CH_LEN[c] // _NUM_B, cbody, 0)
        if c + 2 < 4:
            cps[c + 2] = _issue(c + 2)
    pltpu.sync_copy(cmp_v, out_hbm.at[wid])


@functools.cache
def _gather_call():
    return pl.kernel(
        _gather_body,
        mesh=plsc.VectorSubcoreMesh(core_axis_name="c", subcore_axis_name="s",
                                    num_cores=_NC, num_subcores=_NS),
        out_type=jax.ShapeDtypeStruct((32, 196, _D_MODEL), jnp.float32),
        scratch_types=[
            pltpu.VMEM((_PER_W,), jnp.int32),
            pltpu.VMEM((_CH_LEN[0], _ROW_PAD), jnp.float32),
            pltpu.VMEM((_CH_LEN[0], _ROW_PAD), jnp.float32),
            pltpu.VMEM((_TOK_W, _D_MODEL), jnp.float32),
            pltpu.SemaphoreType.DMA,
            pltpu.SemaphoreType.DMA,
        ],
    )


def kernel(queries, mem_weight):
    B, N, D = queries.shape
    q2d = queries.reshape(B * N, D)
    wt = mem_weight.T
    idx2d, loss_sum = _dist_call(q2d, wt)
    table_pad = jnp.pad(mem_weight, ((0, 0), (0, _ROW_PAD - _D_BLK)))
    emb = _gather_call()(table_pad, idx2d.reshape(-1))
    indices = idx2d.reshape(B, N, _NUM_B)
    commitment_loss = loss_sum[0, 0] / jnp.float32(B * N * D)
    vq_loss = jnp.zeros((), jnp.float32)
    return emb, indices, vq_loss, commitment_loss

# --- scband reference (transcript-rebuilt; emitter-appended) ---
"""Pipeline reference for scband-nlotm-image-auto-encoder-15178414424134 (READ-ONLY COPY).

The authoritative reference and input builder live on the scoring server;
editing this copy changes nothing except your own understanding.
"""

import jax, jax.numpy as jnp
import numpy as np

NUM_PROTOTYPES = 512
NUM_BLOCKS = 4
D_MODEL = 256
D_BLOCK = D_MODEL // NUM_BLOCKS


def setup_inputs(seed: int = 0) -> dict:
    key = jax.random.key(seed)
    k1, k2 = jax.random.split(key)
    queries = jax.random.normal(k1, (32, 196, D_MODEL), dtype=jnp.float32)
    # learned codebook: nn.Embedding(num_blocks * num_prototypes, d_block)
    mem_weight = jax.random.normal(k2, (NUM_BLOCKS * NUM_PROTOTYPES, D_BLOCK), dtype=jnp.float32)
    return {"queries": queries, "mem_weight": mem_weight}


def reference(queries, mem_weight):
    # VqEmaDcrBlockPrototypeMemory.forward (eval mode: no EMA buffer updates)
    B, N, D = queries.shape
    m, p, d = NUM_BLOCKS, NUM_PROTOTYPES, D_BLOCK
    flat = queries.reshape(B * N * m, d)
    # pairwise squared euclidean distances: ||x||^2 - 2 x.w + ||w||^2 (same math
    # as (x[:,None]-w[None]).pow(2).sum(-1), avoids the huge broadcast temp)
    x2 = jnp.sum(flat * flat, axis=-1, keepdims=True)           # (BNm, 1)
    w2 = jnp.sum(mem_weight * mem_weight, axis=-1)[None, :]     # (1, m*p)
    dist = x2 - 2.0 * (flat @ mem_weight.T) + w2                # (BNm, m*p)
    # rearrange '(b n m1) (m2 p) -> m1 (b n) m2 p'
    dist = dist.reshape(B * N, m, m, p)
    dist = jnp.transpose(dist, (1, 0, 2, 3))                    # (m1, BN, m2, p)
    idx_list = []
    for i in range(m):
        di = dist[i, :, i, :]                                   # (BN, p)
        mi = jnp.argmax(-di, axis=1) + i * p
        idx_list.append(mi)
    indices = jnp.stack(idx_list)                               # (m, BN)
    indices = jnp.transpose(indices, (1, 0)).reshape(B, N, m)   # 'm (b n) -> b n m'
    emb = mem_weight[indices]                                   # (B, N, m, d) gather
    emb = emb.reshape(B, N, m * d)
    # straight-through estimator
    emb_st = jax.lax.stop_gradient(emb - queries) + queries
    vq_loss = jnp.array(0.0, dtype=jnp.float32)
    commitment_loss = jnp.mean((jax.lax.stop_gradient(emb_st) - queries) ** 2)
    return (emb_st, indices, vq_loss, commitment_loss)

if __name__ == "__main__":
    import jax
    _d = setup_inputs()
    print(jax.jit(kernel)(*tuple(_d.values())))

</pallas_src>

<mosaic_0001>
#map = affine_map<(d0, d1) -> (0, 0)>
#map1 = affine_map<(d0, d1) -> (0)>
#map2 = affine_map<(d0, d1) -> (0, 0, 0)>
module attributes {stable_mosaic.version = 14 : i64} {
  func.func @_gather_body(%arg0: i32, %arg1: i32, %arg2: memref<2048x128xf32, #tpu.memory_space<hbm>>, %arg3: memref<25088xi32, #tpu.memory_space<hbm>>, %arg4: memref<32x196x256xf32, #tpu.memory_space<hbm>>, %arg5: memref<784xi32, #tpu.memory_space<vmem>>, %arg6: memref<200x128xf32, #tpu.memory_space<vmem>>, %arg7: memref<200x128xf32, #tpu.memory_space<vmem>>, %arg8: memref<196x256xf32, #tpu.memory_space<vmem>>, %arg9: memref<!tpu.dma_semaphore, #tpu.memory_space<semaphore_mem>>, %arg10: memref<!tpu.dma_semaphore, #tpu.memory_space<semaphore_mem>>) attributes {dimension_semantics = [#tpu.dimension_semantics<core_parallel>, #tpu.dimension_semantics<subcore_parallel>], iteration_bounds = array<i64: 2, 16>, scalar_prefetch = 0 : i64, scratch_operands = 6 : i64, tpu.core_type = #tpu.core_type<sc_vector_subcore>, window_params = [{transform_indices = #map}, {transform_indices = #map1}, {transform_indices = #map2}]} {
    %mul3A = arith.constant 2 : i32
    %mul3A_0 = arith.muli %arg1, %mul3A : i32
    %add3A = arith.addi %mul3A_0, %arg0 : i32
    %mul3A_1 = arith.constant 784 : i32
    %mul3A_2 = arith.muli %add3A, %mul3A_1 : i32
    "tpu.region"() ({
      %run_scoped3A = tpu.sem_alloc : memref<!tpu.dma_semaphore, #tpu.memory_space<semaphore_mem>>
      %dma_start3A_92 = tpu.memref_slice %arg3[%mul3A_2] : memref<25088xi32, #tpu.memory_space<hbm>> -> memref<784xi32, #tpu.memory_space<hbm>>
      %dma_start3A_93 = tpu.memref_slice %arg3[%mul3A_2] : memref<25088xi32, #tpu.memory_space<hbm>> -> memref<784xi32, #tpu.memory_space<hbm>>
      tpu.enqueue_dma source(%dma_start3A_93 : memref<784xi32, #tpu.memory_space<hbm>>) target(%arg5 : memref<784xi32, #tpu.memory_space<vmem>>) target_semaphore(%run_scoped3A : memref<!tpu.dma_semaphore, #tpu.memory_space<semaphore_mem>>)
      %dma_wait3A_94 = tpu.memref_slice %arg3[%mul3A_2] : memref<25088xi32, #tpu.memory_space<hbm>> -> memref<784xi32, #tpu.memory_space<hbm>>
      %dma_wait3A_95 = tpu.memref_slice %arg3[%mul3A_2] : memref<25088xi32, #tpu.memory_space<hbm>> -> memref<784xi32, #tpu.memory_space<hbm>>
      tpu.wait_dma2 semaphore(%run_scoped3A : memref<!tpu.dma_semaphore, #tpu.memory_space<semaphore_mem>>) src(%dma_wait3A_95 : memref<784xi32, #tpu.memory_space<hbm>>) dst(%arg5 : memref<784xi32, #tpu.memory_space<vmem>>)
      tpu.yield
    }) : () -> ()
    %dma_start3A = arith.constant 0 : i32
    %dma_start3A_3 = arith.constant 0 : i32
    %dma_start3A_4 = tpu.memref_slice %arg6[%dma_start3A, %dma_start3A_3] : memref<200x128xf32, #tpu.memory_space<vmem>> -> memref<200x128xf32, #tpu.memory_space<vmem>>
    %dma_start3A_5 = arith.constant 0 : i32
    %dma_start3A_6 = tpu.memref_slice %arg5[%dma_start3A_5] : memref<784xi32, #tpu.memory_space<vmem>> -> memref<200xi32, #tpu.memory_space<vmem>>
    %dma_start3A_7 = arith.constant 0 : i32
    %dma_start3A_8 = arith.constant 0 : i32
    %dma_start3A_9 = tpu.memref_slice %arg2[%dma_start3A_7, %dma_start3A_8] : memref<2048x128xf32, #tpu.memory_space<hbm>> -> memref<2048x128xf32, #tpu.memory_space<hbm>>
    tpu.enqueue_indirect_dma source(%dma_start3A_9 : memref<2048x128xf32, #tpu.memory_space<hbm>>) target(%dma_start3A_4 : memref<200x128xf32, #tpu.memory_space<vmem>>) offsets(%dma_start3A_6 : memref<200xi32, #tpu.memory_space<vmem>>) semaphore(%arg9 : memref<!tpu.dma_semaphore, #tpu.memory_space<semaphore_mem>>)
    %dma_start3A_10 = arith.constant 0 : i32
    %dma_start3A_11 = arith.constant 0 : i32
    %dma_start3A_12 = tpu.memref_slice %arg7[%dma_start3A_10, %dma_start3A_11] : memref<200x128xf32, #tpu.memory_space<vmem>> -> memref<200x128xf32, #tpu.memory_space<vmem>>
    %dma_start3A_13 = arith.constant 200 : i32
    %dma_start3A_14 = tpu.memref_slice %arg5[%dma_start3A_13] : memref<784xi32, #tpu.memory_space<vmem>> -> memref<200xi32, #tpu.memory_space<vmem>>
    %dma_start3A_15 = arith.constant 0 : i32
    %dma_start3A_16 = arith.constant 0 : i32
    %dma_start3A_17 = tpu.memref_slice %arg2[%dma_start3A_15, %dma_start3A_16] : memref<2048x128xf32, #tpu.memory_space<hbm>> -> memref<2048x128xf32, #tpu.memory_space<hbm>>
    tpu.enqueue_indirect_dma source(%dma_start3A_17 : memref<2048x128xf32, #tpu.memory_space<hbm>>) target(%dma_start3A_12 : memref<200x128xf32, #tpu.memory_space<vmem>>) offsets(%dma_start3A_14 : memref<200xi32, #tpu.memory_space<vmem>>) semaphore(%arg10 : memref<!tpu.dma_semaphore, #tpu.memory_space<semaphore_mem>>)
    %dma_wait3A = arith.constant 0 : i32
    %dma_wait3A_18 = arith.constant 0 : i32
    %dma_wait3A_19 = tpu.memref_slice %arg6[%dma_wait3A, %dma_wait3A_18] : memref<200x128xf32, #tpu.memory_space<vmem>> -> memref<200x128xf32, #tpu.memory_space<vmem>>
    %dma_wait3A_20 = arith.constant 0 : i32
    %dma_wait3A_21 = tpu.memref_slice %arg5[%dma_wait3A_20] : memref<784xi32, #tpu.memory_space<vmem>> -> memref<200xi32, #tpu.memory_space<vmem>>
    %dma_wait3A_22 = arith.constant 0 : i32
    %dma_wait3A_23 = arith.constant 0 : i32
    %dma_wait3A_24 = tpu.memref_slice %arg2[%dma_wait3A_22, %dma_wait3A_23] : memref<2048x128xf32, #tpu.memory_space<hbm>> -> memref<2048x128xf32, #tpu.memory_space<hbm>>
    tpu.wait_indirect_dma semaphore(%arg9 : memref<!tpu.dma_semaphore, #tpu.memory_space<semaphore_mem>>) src(%dma_wait3A_24 : memref<2048x128xf32, #tpu.memory_space<hbm>>) dst(%dma_wait3A_19 : memref<200x128xf32, #tpu.memory_space<vmem>>)
    %scan3A = arith.constant 0 : i32
    %scan3A_25 = arith.constant 0 : i32
    %scan3A_26 = arith.constant 50 : i32
    %scan3A_27 = arith.addi %scan3A_25, %scan3A_26 : i32
    %scan3A_28 = arith.constant 1 : i32
    %scan3A_29 = scf.for %scan3A_92 = %scan3A_25 to %scan3A_27 step %scan3A_28 iter_args(%scan3A_93 = %scan3A) -> (i32)  : i32 {
      %mul3A_94 = arith.constant 4 : i32
      %mul3A_95 = arith.muli %mul3A_94, %scan3A_92 : i32
      %add3A_96 = arith.constant 0 : i32
      %add3A_97 = arith.addi %mul3A_95, %add3A_96 : i32
      %get3A = arith.index_cast %add3A_97 : i32 to index
      %get3A_98 = arith.constant 0 : index
      %get3A_99 = tpu.vector_load %arg6[%get3A, %get3A_98] {strides = array<i32>} : memref<200x128xf32, #tpu.memory_space<vmem>>, vector<1x16xf32>,
      %get3A_100 = vector.shape_cast %get3A_99 : vector<1x16xf32> to vector<16xf32>
      %add3A_101 = arith.constant 0 : i32
      %add3A_102 = arith.addi %add3A_101, %scan3A_92 : i32
      %swap3A = arith.index_cast %add3A_102 : i32 to index
      %swap3A_103 = arith.constant 0 : index
      %swap3A_104 = tpu.vector_load %arg8[%swap3A, %swap3A_103] {strides = array<i32>} : memref<196x256xf32, #tpu.memory_space<vmem>>, vector<1x16xf32>,
      %swap3A_105 = vector.shape_cast %swap3A_104 : vector<1x16xf32> to vector<16xf32>
      %swap3A_106 = vector.shape_cast %get3A_100 : vector<16xf32> to vector<1x16xf32>
      tpu.vector_store %arg8[%swap3A, %swap3A_103], %swap3A_106 {strides = array<i32>} : memref<196x256xf32, #tpu.memory_space<vmem>>, vector<1x16xf32>,
      %mul3A_107 = arith.constant 4 : i32
      %mul3A_108 = arith.muli %mul3A_107, %scan3A_92 : i32
      %add3A_109 = arith.constant 0 : i32
      %add3A_110 = arith.addi %mul3A_108, %add3A_109 : i32
      %get3A_111 = arith.index_cast %add3A_110 : i32 to index
      %get3A_112 = arith.constant 16 : index
      %get3A_113 = tpu.vector_load %arg6[%get3A_111, %get3A_112] {strides = array<i32>} : memref<200x128xf32, #tpu.memory_space<vmem>>, vector<1x16xf32>,
      %get3A_114 = vector.shape_cast %get3A_113 : vector<1x16xf32> to vector<16xf32>
      %add3A_115 = arith.constant 0 : i32
      %add3A_116 = arith.addi %add3A_115, %scan3A_92 : i32
      %swap3A_117 = arith.index_cast %add3A_116 : i32 to index
      %swap3A_118 = arith.constant 16 : index
      %swap3A_119 = tpu.vector_load %arg8[%swap3A_117, %swap3A_118] {strides = array<i32>} : memref<196x256xf32, #tpu.memory_space<vmem>>, vector<1x16xf32>,
      %swap3A_120 = vector.shape_cast %swap3A_119 : vector<1x16xf32> to vector<16xf32>
      %swap3A_121 = vector.shape_cast %get3A_114 : vector<16xf32> to vector<1x16xf32>
      tpu.vector_store %arg8[%swap3A_117, %swap3A_118], %swap3A_121 {strides = array<i32>} : memref<196x256xf32, #tpu.memory_space<vmem>>, vector<1x16xf32>,
      %mul3A_122 = arith.constant 4 : i32
      %mul3A_123 = arith.muli %mul3A_122, %scan3A_92 : i32
      %add3A_124 = arith.constant 0 : i32
      %add3A_125 = arith.addi %mul3A_123, %add3A_124 : i32
      %get3A_126 = arith.index_cast %add3A_125 : i32 to index
      %get3A_127 = arith.constant 32 : index
      %get3A_128 = tpu.vector_load %arg6[%get3A_126, %get3A_127] {strides = array<i32>} : memref<200x128xf32, #tpu.memory_space<vmem>>, vector<1x16xf32>,
      %get3A_129 = vector.shape_cast %get3A_128 : vector<1x16xf32> to vector<16xf32>
      %add3A_130 = arith.constant 0 : i32
      %add3A_131 = arith.addi %add3A_130, %scan3A_92 : i32
      %swap3A_132 = arith.index_cast %add3A_131 : i32 to index
      %swap3A_133 = arith.constant 32 : index
      %swap3A_134 = tpu.vector_load %arg8[%swap3A_132, %swap3A_133] {strides = array<i32>} : memref<196x256xf32, #tpu.memory_space<vmem>>, vector<1x16xf32>,
      %swap3A_135 = vector.shape_cast %swap3A_134 : vector<1x16xf32> to vector<16xf32>
      %swap3A_136 = vector.shape_cast %get3A_129 : vector<16xf32> to vector<1x16xf32>
      tpu.vector_store %arg8[%swap3A_132, %swap3A_133], %swap3A_136 {strides = array<i32>} : memref<196x256xf32, #tpu.memory_space<vmem>>, vector<1x16xf32>,
      %mul3A_137 = arith.constant 4 : i32
      %mul3A_138 = arith.muli %mul3A_137, %scan3A_92 : i32
      %add3A_139 = arith.constant 0 : i32
      %add3A_140 = arith.addi %mul3A_138, %add3A_139 : i32
      %get3A_141 = arith.index_cast %add3A_140 : i32 to index
      %get3A_142 = arith.constant 48 : index
      %get3A_143 = tpu.vector_load %arg6[%get3A_141, %get3A_142] {strides = array<i32>} : memref<200x128xf32, #tpu.memory_space<vmem>>, vector<1x16xf32>,
      %get3A_144 = vector.shape_cast %get3A_143 : vector<1x16xf32> to vector<16xf32>
      %add3A_145 = arith.constant 0 : i32
      %add3A_146 = arith.addi %add3A_145, %scan3A_92 : i32
      %swap3A_147 = arith.index_cast %add3A_146 : i32 to index
      %swap3A_148 = arith.constant 48 : index
      %swap3A_149 = tpu.vector_load %arg8[%swap3A_147, %swap3A_148] {strides = array<i32>} : memref<196x256xf32, #tpu.memory_space<vmem>>, vector<1x16xf32>,
      %swap3A_150 = vector.shape_cast %swap3A_149 : vector<1x16xf32> to vector<16xf32>
      %swap3A_151 = vector.shape_cast %get3A_144 : vector<16xf32> to vector<1x16xf32>
      tpu.vector_store %arg8[%swap3A_147, %swap3A_148], %swap3A_151 {strides = array<i32>} : memref<196x256xf32, #tpu.memory_space<vmem>>, vector<1x16xf32>,
      %mul3A_152 = arith.constant 4 : i32
      %mul3A_153 = arith.muli %mul3A_152, %scan3A_92 : i32
      %add3A_154 = arith.constant 1 : i32
      %add3A_155 = arith.addi %mul3A_153, %add3A_154 : i32
      %get3A_156 = arith.index_cast %add3A_155 : i32 to index
      %get3A_157 = arith.constant 0 : index
      %get3A_158 = tpu.vector_load %arg6[%get3A_156, %get3A_157] {strides = array<i32>} : memref<200x128xf32, #tpu.memory_space<vmem>>, vector<1x16xf32>,
      %get3A_159 = vector.shape_cast %get3A_158 : vector<1x16xf32> to vector<16xf32>
      %add3A_160 = arith.constant 0 : i32
      %add3A_161 = arith.addi %add3A_160, %scan3A_92 : i32
      %swap3A_162 = arith.index_cast %add3A_161 : i32 to index
      %swap3A_163 = arith.constant 64 : index
      %swap3A_164 = tpu.vector_load %arg8[%swap3A_162, %swap3A_163] {strides = array<i32>} : memref<196x256xf32, #tpu.memory_space<vmem>>, vector<1x16xf32>,
      %swap3A_165 = vector.shape_cast %swap3A_164 : vector<1x16xf32> to vector<16xf32>
      %swap3A_166 = vector.shape_cast %get3A_159 : vector<16xf32> to vector<1x16xf32>
      tpu.vector_store %arg8[%swap3A_162, %swap3A_163], %swap3A_166 {strides = array<i32>} : memref<196x256xf32, #tpu.memory_space<vmem>>, vector<1x16xf32>,
      %mul3A_167 = arith.constant 4 : i32
      %mul3A_168 = arith.muli %mul3A_167, %scan3A_92 : i32
      %add3A_169 = arith.constant 1 : i32
      %add3A_170 = arith.addi %mul3A_168, %add3A_169 : i32
      %get3A_171 = arith.index_cast %add3A_170 : i32 to index
      %get3A_172 = arith.constant 16 : index
      %get3A_173 = tpu.vector_load %arg6[%get3A_171, %get3A_172] {strides = array<i32>} : memref<200x128xf32, #tpu.memory_space<vmem>>, vector<1x16xf32>,
      %get3A_174 = vector.shape_cast %get3A_173 : vector<1x16xf32> to vector<16xf32>
      %add3A_175 = arith.constant 0 : i32
      %add3A_176 = arith.addi %add3A_175, %scan3A_92 : i32
      %swap3A_177 = arith.index_cast %add3A_176 : i32 to index
      %swap3A_178 = arith.constant 80 : index
      %swap3A_179 = tpu.vector_load %arg8[%swap3A_177, %swap3A_178] {strides = array<i32>} : memref<196x256xf32, #tpu.memory_space<vmem>>, vector<1x16xf32>,
      %swap3A_180 = vector.shape_cast %swap3A_179 : vector<1x16xf32> to vector<16xf32>
      %swap3A_181 = vector.shape_cast %get3A_174 : vector<16xf32> to vector<1x16xf32>
      tpu.vector_store %arg8[%swap3A_177, %swap3A_178], %swap3A_181 {strides = array<i32>} : memref<196x256xf32, #tpu.memory_space<vmem>>, vector<1x16xf32>,
      %mul3A_182 = arith.constant 4 : i32
      %mul3A_183 = arith.muli %mul3A_182, %scan3A_92 : i32
      %add3A_184 = arith.constant 1 : i32
      %add3A_185 = arith.addi %mul3A_183, %add3A_184 : i32
      %get3A_186 = arith.index_cast %add3A_185 : i32 to index
      %get3A_187 = arith.constant 32 : index
      %get3A_188 = tpu.vector_load %arg6[%get3A_186, %get3A_187] {strides = array<i32>} : memref<200x128xf32, #tpu.memory_space<vmem>>, vector<1x16xf32>,
      %get3A_189 = vector.shape_cast %get3A_188 : vector<1x16xf32> to vector<16xf32>
      %add3A_190 = arith.constant 0 : i32
      %add3A_191 = arith.addi %add3A_190, %scan3A_92 : i32
      %swap3A_192 = arith.index_cast %add3A_191 : i32 to index
      %swap3A_193 = arith.constant 96 : index
      %swap3A_194 = tpu.vector_load %arg8[%swap3A_192, %swap3A_193] {strides = array<i32>} : memref<196x256xf32, #tpu.memory_space<vmem>>, vector<1x16xf32>,
      %swap3A_195 = vector.shape_cast %swap3A_194 : vector<1x16xf32> to vector<16xf32>
      %swap3A_196 = vector.shape_cast %get3A_189 : vector<16xf32> to vector<1x16xf32>
      tpu.vector_store %arg8[%swap3A_192, %swap3A_193], %swap3A_196 {strides = array<i32>} : memref<196x256xf32, #tpu.memory_space<vmem>>, vector<1x16xf32>,
      %mul3A_197 = arith.constant 4 : i32
      %mul3A_198 = arith.muli %mul3A_197, %scan3A_92 : i32
      %add3A_199 = arith.constant 1 : i32
      %add3A_200 = arith.addi %mul3A_198, %add3A_199 : i32
      %get3A_201 = arith.index_cast %add3A_200 : i32 to index
      %get3A_202 = arith.constant 48 : index
      %get3A_203 = tpu.vector_load %arg6[%get3A_201, %get3A_202] {strides = array<i32>} : memref<200x128xf32, #tpu.memory_space<vmem>>, vector<1x16xf32>,
      %get3A_204 = vector.shape_cast %get3A_203 : vector<1x16xf32> to vector<16xf32>
      %add3A_205 = arith.constant 0 : i32
      %add3A_206 = arith.addi %add3A_205, %scan3A_92 : i32
      %swap3A_207 = arith.index_cast %add3A_206 : i32 to index
      %swap3A_208 = arith.constant 112 : index
      %swap3A_209 = tpu.vector_load %arg8[%swap3A_207, %swap3A_208] {strides = array<i32>} : memref<196x256xf32, #tpu.memory_space<vmem>>, vector<1x16xf32>,
      %swap3A_210 = vector.shape_cast %swap3A_209 : vector<1x16xf32> to vector<16xf32>
      %swap3A_211 = vector.shape_cast %get3A_204 : vector<16xf32> to vector<1x16xf32>
      tpu.vector_store %arg8[%swap3A_207, %swap3A_208], %swap3A_211 {strides = array<i32>} : memref<196x256xf32, #tpu.memory_space<vmem>>, vector<1x16xf32>,
      %mul3A_212 = arith.constant 4 : i32
      %mul3A_213 = arith.muli %mul3A_212, %scan3A_92 : i32
      %add3A_214 = arith.constant 2 : i32
      %add3A_215 = arith.addi %mul3A_213, %add3A_214 : i32
      %get3A_216 = arith.index_cast %add3A_215 : i32 to index
      %get3A_217 = arith.constant 0 : index
      %get3A_218 = tpu.vector_load %arg6[%get3A_216, %get3A_217] {strides = array<i32>} : memref<200x128xf32, #tpu.memory_space<vmem>>, vector<1x16xf32>,
      %get3A_219 = vector.shape_cast %get3A_218 : vector<1x16xf32> to vector<16xf32>
      %add3A_220 = arith.constant 0 : i32
      %add3A_221 = arith.addi %add3A_220, %scan3A_92 : i32
      %swap3A_222 = arith.index_cast %add3A_221 : i32 to index
      %swap3A_223 = arith.constant 128 : index
      %swap3A_224 = tpu.vector_load %arg8[%swap3A_222, %swap3A_223] {strides = array<i32>} : memref<196x256xf32, #tpu.memory_space<vmem>>, vector<1x16xf32>,
      %swap3A_225 = vector.shape_cast %swap3A_224 : vector<1x16xf32> to vector<16xf32>
      %swap3A_226 = vector.shape_cast %get3A_219 : vector<16xf32> to vector<1x16xf32>
      tpu.vector_store %arg8[%swap3A_222, %swap3A_223], %swap3A_226 {strides = array<i32>} : memref<196x256xf32, #tpu.memory_space<vmem>>, vector<1x16xf32>,
      %mul3A_227 = arith.constant 4 : i32
      %mul3A_228 = arith.muli %mul3A_227, %scan3A_92 : i32
      %add3A_229 = arith.constant 2 : i32
      %add3A_230 = arith.addi %mul3A_228, %add3A_229 : i32
      %get3A_231 = arith.index_cast %add3A_230 : i32 to index
      %get3A_232 = arith.constant 16 : index
      %get3A_233 = tpu.vector_load %arg6[%get3A_231, %get3A_232] {strides = array<i32>} : memref<200x128xf32, #tpu.memory_space<vmem>>, vector<1x16xf32>,
      %get3A_234 = vector.shape_cast %get3A_233 : vector<1x16xf32> to vector<16xf32>
      %add3A_235 = arith.constant 0 : i32
      %add3A_236 = arith.addi %add3A_235, %scan3A_92 : i32
      %swap3A_237 = arith.index_cast %add3A_236 : i32 to index
      %swap3A_238 = arith.constant 144 : index
      %swap3A_239 = tpu.vector_load %arg8[%swap3A_237, %swap3A_238] {strides = array<i32>} : memref<196x256xf32, #tpu.memory_space<vmem>>, vector<1x16xf32>,
      %swap3A_240 = vector.shape_cast %swap3A_239 : vector<1x16xf32> to vector<16xf32>
      %swap3A_241 = vector.shape_cast %get3A_234 : vector<16xf32> to vector<1x16xf32>
      tpu.vector_store %arg8[%swap3A_237, %swap3A_238], %swap3A_241 {strides = array<i32>} : memref<196x256xf32, #tpu.memory_space<vmem>>, vector<1x16xf32>,
      %mul3A_242 = arith.constant 4 : i32
      %mul3A_243 = arith.muli %mul3A_242, %scan3A_92 : i32
      %add3A_244 = arith.constant 2 : i32
      %add3A_245 = arith.addi %mul3A_243, %add3A_244 : i32
      %get3A_246 = arith.index_cast %add3A_245 : i32 to index
      %get3A_247 = arith.constant 32 : index
      %get3A_248 = tpu.vector_load %arg6[%get3A_246, %get3A_247] {strides = array<i32>} : memref<200x128xf32, #tpu.memory_space<vmem>>, vector<1x16xf32>,
      %get3A_249 = vector.shape_cast %get3A_248 : vector<1x16xf32> to vector<16xf32>
      %add3A_250 = arith.constant 0 : i32
      %add3A_251 = arith.addi %add3A_250, %scan3A_92 : i32
      %swap3A_252 = arith.index_cast %add3A_251 : i32 to index
      %swap3A_253 = arith.constant 160 : index
      %swap3A_254 = tpu.vector_load %arg8[%swap3A_252, %swap3A_253] {strides = array<i32>} : memref<196x256xf32, #tpu.memory_space<vmem>>, vector<1x16xf32>,
      %swap3A_255 = vector.shape_cast %swap3A_254 : vector<1x16xf32> to vector<16xf32>
      %swap3A_256 = vector.shape_cast %get3A_249 : vector<16xf32> to vector<1x16xf32>
      tpu.vector_store %arg8[%swap3A_252, %swap3A_253], %swap3A_256 {strides = array<i32>} : memref<196x256xf32, #tpu.memory_space<vmem>>, vector<1x16xf32>,
      %mul3A_257 = arith.constant 4 : i32
      %mul3A_258 = arith.muli %mul3A_257, %scan3A_92 : i32
      %add3A_259 = arith.constant 2 : i32
      %add3A_260 = arith.addi %mul3A_258, %add3A_259 : i32
      %get3A_261 = arith.index_cast %add3A_260 : i32 to index
      %get3A_262 = arith.constant 48 : index
      %get3A_263 = tpu.vector_load %arg6[%get3A_261, %get3A_262] {strides = array<i32>} : memref<200x128xf32, #tpu.memory_space<vmem>>, vector<1x16xf32>,
      %get3A_264 = vector.shape_cast %get3A_263 : vector<1x16xf32> to vector<16xf32>
      %add3A_265 = arith.constant 0 : i32
      %add3A_266 = arith.addi %add3A_265, %scan3A_92 : i32
      %swap3A_267 = arith.index_cast %add3A_266 : i32 to index
      %swap3A_268 = arith.constant 176 : index
      %swap3A_269 = tpu.vector_load %arg8[%swap3A_267, %swap3A_268] {strides = array<i32>} : memref<196x256xf32, #tpu.memory_space<vmem>>, vector<1x16xf32>,
      %swap3A_270 = vector.shape_cast %swap3A_269 : vector<1x16xf32> to vector<16xf32>
      %swap3A_271 = vector.shape_cast %get3A_264 : vector<16xf32> to vector<1x16xf32>
      tpu.vector_store %arg8[%swap3A_267, %swap3A_268], %swap3A_271 {strides = array<i32>} : memref<196x256xf32, #tpu.memory_space<vmem>>, vector<1x16xf32>,
      %mul3A_272 = arith.constant 4 : i32
      %mul3A_273 = arith.muli %mul3A_272, %scan3A_92 : i32
      %add3A_274 = arith.constant 3 : i32
      %add3A_275 = arith.addi %mul3A_273, %add3A_274 : i32
      %get3A_276 = arith.index_cast %add3A_275 : i32 to index
      %get3A_277 = arith.constant 0 : index
      %get3A_278 = tpu.vector_load %arg6[%get3A_276, %get3A_277] {strides = array<i32>} : memref<200x128xf32, #tpu.memory_space<vmem>>, vector<1x16xf32>,
      %get3A_279 = vector.shape_cast %get3A_278 : vector<1x16xf32> to vector<16xf32>
      %add3A_280 = arith.constant 0 : i32
      %add3A_281 = arith.addi %add3A_280, %scan3A_92 : i32
      %swap3A_282 = arith.index_cast %add3A_281 : i32 to index
      %swap3A_283 = arith.constant 192 : index
      %swap3A_284 = tpu.vector_load %arg8[%swap3A_282, %swap3A_283] {strides = array<i32>} : memref<196x256xf32, #tpu.memory_space<vmem>>, vector<1x16xf32>,
      %swap3A_285 = vector.shape_cast %swap3A_284 : vector<1x16xf32> to vector<16xf32>
      %swap3A_286 = vector.shape_cast %get3A_279 : vector<16xf32> to vector<1x16xf32>
      tpu.vector_store %arg8[%swap3A_282, %swap3A_283], %swap3A_286 {strides = array<i32>} : memref<196x256xf32, #tpu.memory_space<vmem>>, vector<1x16xf32>,
      %mul3A_287 = arith.constant 4 : i32
      %mul3A_288 = arith.muli %mul3A_287, %scan3A_92 : i32
      %add3A_289 = arith.constant 3 : i32
      %add3A_290 = arith.addi %mul3A_288, %add3A_289 : i32
      %get3A_291 = arith.index_cast %add3A_290 : i32 to index
      %get3A_292 = arith.constant 16 : index
      %get3A_293 = tpu.vector_load %arg6[%get3A_291, %get3A_292] {strides = array<i32>} : memref<200x128xf32, #tpu.memory_space<vmem>>, vector<1x16xf32>,
      %get3A_294 = vector.shape_cast %get3A_293 : vector<1x16xf32> to vector<16xf32>
      %add3A_295 = arith.constant 0 : i32
      %add3A_296 = arith.addi %add3A_295, %scan3A_92 : i32
      %swap3A_297 = arith.index_cast %add3A_296 : i32 to index
      %swap3A_298 = arith.constant 208 : index
      %swap3A_299 = tpu.vector_load %arg8[%swap3A_297, %swap3A_298] {strides = array<i32>} : memref<196x256xf32, #tpu.memory_space<vmem>>, vector<1x16xf32>,
      %swap3A_300 = vector.shape_cast %swap3A_299 : vector<1x16xf32> to vector<16xf32>
      %swap3A_301 = vector.shape_cast %get3A_294 : vector<16xf32> to vector<1x16xf32>
      tpu.vector_store %arg8[%swap3A_297, %swap3A_298], %swap3A_301 {strides = array<i32>} : memref<196x256xf32, #tpu.memory_space<vmem>>, vector<1x16xf32>,
      %mul3A_302 = arith.constant 4 : i32
      %mul3A_303 = arith.muli %mul3A_302, %scan3A_92 : i32
      %add3A_304 = arith.constant 3 : i32
      %add3A_305 = arith.addi %mul3A_303, %add3A_304 : i32
      %get3A_306 = arith.index_cast %add3A_305 : i32 to index
      %get3A_307 = arith.constant 32 : index
      %get3A_308 = tpu.vector_load %arg6[%get3A_306, %get3A_307] {strides = array<i32>} : memref<200x128xf32, #tpu.memory_space<vmem>>, vector<1x16xf32>,
      %get3A_309 = vector.shape_cast %get3A_308 : vector<1x16xf32> to vector<16xf32>
      %add3A_310 = arith.constant 0 : i32
      %add3A_311 = arith.addi %add3A_310, %scan3A_92 : i32
      %swap3A_312 = arith.index_cast %add3A_311 : i32 to index
      %swap3A_313 = arith.constant 224 : index
      %swap3A_314 = tpu.vector_load %arg8[%swap3A_312, %swap3A_313] {strides = array<i32>} : memref<196x256xf32, #tpu.memory_space<vmem>>, vector<1x16xf32>,
      %swap3A_315 = vector.shape_cast %swap3A_314 : vector<1x16xf32> to vector<16xf32>
      %swap3A_316 = vector.shape_cast %get3A_309 : vector<16xf32> to vector<1x16xf32>
      tpu.vector_store %arg8[%swap3A_312, %swap3A_313], %swap3A_316 {strides = array<i32>} : memref<196x256xf32, #tpu.memory_space<vmem>>, vector<1x16xf32>,
      %mul3A_317 = arith.constant 4 : i32
      %mul3A_318 = arith.muli %mul3A_317, %scan3A_92 : i32
      %add3A_319 = arith.constant 3 : i32
      %add3A_320 = arith.addi %mul3A_318, %add3A_319 : i32
      %get3A_321 = arith.index_cast %add3A_320 : i32 to index
      %get3A_322 = arith.constant 48 : index
      %get3A_323 = tpu.vector_load %arg6[%get3A_321, %get3A_322] {strides = array<i32>} : memref<200x128xf32, #tpu.memory_space<vmem>>, vector<1x16xf32>,
      %get3A_324 = vector.shape_cast %get3A_323 : vector<1x16xf32> to vector<16xf32>
      %add3A_325 = arith.constant 0 : i32
      %add3A_326 = arith.addi %add3A_325, %scan3A_92 : i32
      %swap3A_327 = arith.index_cast %add3A_326 : i32 to index
      %swap3A_328 = arith.constant 240 : index
      %swap3A_329 = tpu.vector_load %arg8[%swap3A_327, %swap3A_328] {strides = array<i32>} : memref<196x256xf32, #tpu.memory_space<vmem>>, vector<1x16xf32>,
      %swap3A_330 = vector.shape_cast %swap3A_329 : vector<1x16xf32> to vector<16xf32>
      %swap3A_331 = vector.shape_cast %get3A_324 : vector<16xf32> to vector<1x16xf32>
      tpu.vector_store %arg8[%swap3A_327, %swap3A_328], %swap3A_331 {strides = array<i32>} : memref<196x256xf32, #tpu.memory_space<vmem>>, vector<1x16xf32>,
      %scan3A_332 = arith.constant 0 : i32
      scf.yield %scan3A_332 : i32
    }
    %scan3A_30 = arith.constant 50 : i32
    %dma_start3A_31 = arith.constant 0 : i32
    %dma_start3A_32 = arith.constant 0 : i32
    %dma_start3A_33 = tpu.memref_slice %arg6[%dma_start3A_31, %dma_start3A_32] : memref<200x128xf32, #tpu.memory_space<vmem>> -> memref<200x128xf32, #tpu.memory_space<vmem>>
    %dma_start3A_34 = arith.constant 400 : i32
    %dma_start3A_35 = tpu.memref_slice %arg5[%dma_start3A_34] : memref<784xi32, #tpu.memory_space<vmem>> -> memref<200xi32, #tpu.memory_space<vmem>>
    %dma_start3A_36 = arith.constant 0 : i32
    %dma_start3A_37 = arith.constant 0 : i32
    %dma_start3A_38 = tpu.memref_slice %arg2[%dma_start3A_36, %dma_start3A_37] : memref<2048x128xf32, #tpu.memory_space<hbm>> -> memref<2048x128xf32, #tpu.memory_space<hbm>>
    tpu.enqueue_indirect_dma source(%dma_start3A_38 : memref<2048x128xf32, #tpu.memory_space<hbm>>) target(%dma_start3A_33 : memref<200x128xf32, #tpu.memory_space<vmem>>) offsets(%dma_start3A_35 : memref<200xi32, #tpu.memory_space<vmem>>) semaphore(%arg9 : memref<!tpu.dma_semaphore, #tpu.memory_space<semaphore_mem>>)
    %dma_wait3A_39 = arith.constant 0 : i32
    %dma_wait3A_40 = arith.constant 0 : i32
    %dma_wait3A_41 = tpu.memref_slice %arg7[%dma_wait3A_39, %dma_wait3A_40] : memref<200x128xf32, #tpu.memory_space<vmem>> -> memref<200x128xf32, #tpu.memory_space<vmem>>
    %dma_wait3A_42 = arith.constant 200 : i32
    %dma_wait3A_43 = tpu.memref_slice %arg5[%dma_wait3A_42] : memref<784xi32, #tpu.memory_space<vmem>> -> memref<200xi32, #tpu.memory_space<vmem>>
    %dma_wait3A_44 = arith.constant 0 : i32
    %dma_wait3A_45 = arith.constant 0 : i32
    %dma_wait3A_46 = tpu.memref_slice %arg2[%dma_wait3A_44, %dma_wait3A_45] : memref<2048x128xf32, #tpu.memory_space<hbm>> -> memref<2048x128xf32, #tpu.memory_space<hbm>>
    tpu.wait_indirect_dma semaphore(%arg10 : memref<!tpu.dma_semaphore, #tpu.memory_space<semaphore_mem>>) src(%dma_wait3A_46 : memref<2048x128xf32, #tpu.memory_space<hbm>>) dst(%dma_wait3A_41 : memref<200x128xf32, #tpu.memory_space<vmem>>)
    %scan3A_47 = arith.constant 0 : i32
    %scan3A_48 = arith.constant 0 : i32
    %scan3A_49 = arith.constant 50 : i32
    %scan3A_50 = arith.addi %scan3A_48, %scan3A_49 : i32
    %scan3A_51 = arith.constant 1 : i32
    %scan3A_52 = scf.for %scan3A_92 = %scan3A_48 to %scan3A_50 step %scan3A_51 iter_args(%scan3A_93 = %scan3A_47) -> (i32)  : i32 {
      %mul3A_94 = arith.constant 4 : i32
      %mul3A_95 = arith.muli %mul3A_94, %scan3A_92 : i32
      %add3A_96 = arith.constant 0 : i32
      %add3A_97 = arith.addi %mul3A_95, %add3A_96 : i32
      %get3A = arith.index_cast %add3A_97 : i32 to index
      %get3A_98 = arith.constant 0 : index
      %get3A_99 = tpu.vector_load %arg7[%get3A, %get3A_98] {strides = array<i32>} : memref<200x128xf32, #tpu.memory_space<vmem>>, vector<1x16xf32>,
      %get3A_100 = vector.shape_cast %get3A_99 : vector<1x16xf32> to vector<16xf32>
      %add3A_101 = arith.constant 50 : i32
      %add3A_102 = arith.addi %add3A_101, %scan3A_92 : i32
      %swap3A = arith.index_cast %add3A_102 : i32 to index
      %swap3A_103 = arith.constant 0 : index
      %swap3A_104 = tpu.vector_load %arg8[%swap3A, %swap3A_103] {strides = array<i32>} : memref<196x256xf32, #tpu.memory_space<vmem>>, vector<1x16xf32>,
      %swap3A_105 = vector.shape_cast %swap3A_104 : vector<1x16xf32> to vector<16xf32>
      %swap3A_106 = vector.shape_cast %get3A_100 : vector<16xf32> to vector<1x16xf32>
      tpu.vector_store %arg8[%swap3A, %swap3A_103], %swap3A_106 {strides = array<i32>} : memref<196x256xf32, #tpu.memory_space<vmem>>, vector<1x16xf32>,
      %mul3A_107 = arith.constant 4 : i32
      %mul3A_108 = arith.muli %mul3A_107, %scan3A_92 : i32
      %add3A_109 = arith.constant 0 : i32
      %add3A_110 = arith.addi %mul3A_108, %add3A_109 : i32
      %get3A_111 = arith.index_cast %add3A_110 : i32 to index
      %get3A_112 = arith.constant 16 : index
      %get3A_113 = tpu.vector_load %arg7[%get3A_111, %get3A_112] {strides = array<i32>} : memref<200x128xf32, #tpu.memory_space<vmem>>, vector<1x16xf32>,
      %get3A_114 = vector.shape_cast %get3A_113 : vector<1x16xf32> to vector<16xf32>
      %add3A_115 = arith.constant 50 : i32
      %add3A_116 = arith.addi %add3A_115, %scan3A_92 : i32
      %swap3A_117 = arith.index_cast %add3A_116 : i32 to index
      %swap3A_118 = arith.constant 16 : index
      %swap3A_119 = tpu.vector_load %arg8[%swap3A_117, %swap3A_118] {strides = array<i32>} : memref<196x256xf32, #tpu.memory_space<vmem>>, vector<1x16xf32>,
      %swap3A_120 = vector.shape_cast %swap3A_119 : vector<1x16xf32> to vector<16xf32>
      %swap3A_121 = vector.shape_cast %get3A_114 : vector<16xf32> to vector<1x16xf32>
      tpu.vector_store %arg8[%swap3A_117, %swap3A_118], %swap3A_121 {strides = array<i32>} : memref<196x256xf32, #tpu.memory_space<vmem>>, vector<1x16xf32>,
      %mul3A_122 = arith.constant 4 : i32
      %mul3A_123 = arith.muli %mul3A_122, %scan3A_92 : i32
      %add3A_124 = arith.constant 0 : i32
      %add3A_125 = arith.addi %mul3A_123, %add3A_124 : i32
      %get3A_126 = arith.index_cast %add3A_125 : i32 to index
      %get3A_127 = arith.constant 32 : index
      %get3A_128 = tpu.vector_load %arg7[%get3A_126, %get3A_127] {strides = array<i32>} : memref<200x128xf32, #tpu.memory_space<vmem>>, vector<1x16xf32>,
      %get3A_129 = vector.shape_cast %get3A_128 : vector<1x16xf32> to vector<16xf32>
      %add3A_130 = arith.constant 50 : i32
      %add3A_131 = arith.addi %add3A_130, %scan3A_92 : i32
      %swap3A_132 = arith.index_cast %add3A_131 : i32 to index
      %swap3A_133 = arith.constant 32 : index
      %swap3A_134 = tpu.vector_load %arg8[%swap3A_132, %swap3A_133] {strides = array<i32>} : memref<196x256xf32, #tpu.memory_space<vmem>>, vector<1x16xf32>,
      %swap3A_135 = vector.shape_cast %swap3A_134 : vector<1x16xf32> to vector<16xf32>
      %swap3A_136 = vector.shape_cast %get3A_129 : vector<16xf32> to vector<1x16xf32>
      tpu.vector_store %arg8[%swap3A_132, %swap3A_133], %swap3A_136 {strides = array<i32>} : memref<196x256xf32, #tpu.memory_space<vmem>>, vector<1x16xf32>,
      %mul3A_137 = arith.constant 4 : i32
      %mul3A_138 = arith.muli %mul3A_137, %scan3A_92 : i32
      %add3A_139 = arith.constant 0 : i32
      %add3A_140 = arith.addi %mul3A_138, %add3A_139 : i32
      %get3A_141 = arith.index_cast %add3A_140 : i32 to index
      %get3A_142 = arith.constant 48 : index
      %get3A_143 = tpu.vector_load %arg7[%get3A_141, %get3A_142] {strides = array<i32>} : memref<200x128xf32, #tpu.memory_space<vmem>>, vector<1x16xf32>,
      %get3A_144 = vector.shape_cast %get3A_143 : vector<1x16xf32> to vector<16xf32>
      %add3A_145 = arith.constant 50 : i32
      %add3A_146 = arith.addi %add3A_145, %scan3A_92 : i32
      %swap3A_147 = arith.index_cast %add3A_146 : i32 to index
      %swap3A_148 = arith.constant 48 : index
      %swap3A_149 = tpu.vector_load %arg8[%swap3A_147, %swap3A_148] {strides = array<i32>} : memref<196x256xf32, #tpu.memory_space<vmem>>, vector<1x16xf32>,
      %swap3A_150 = vector.shape_cast %swap3A_149 : vector<1x16xf32> to vector<16xf32>
      %swap3A_151 = vector.shape_cast %get3A_144 : vector<16xf32> to vector<1x16xf32>
      tpu.vector_store %arg8[%swap3A_147, %swap3A_148], %swap3A_151 {strides = array<i32>} : memref<196x256xf32, #tpu.memory_space<vmem>>, vector<1x16xf32>,
      %mul3A_152 = arith.constant 4 : i32
      %mul3A_153 = arith.muli %mul3A_152, %scan3A_92 : i32
      %add3A_154 = arith.constant 1 : i32
      %add3A_155 = arith.addi %mul3A_153, %add3A_154 : i32
      %get3A_156 = arith.index_cast %add3A_155 : i32 to index
      %get3A_157 = arith.constant 0 : index
      %get3A_158 = tpu.vector_load %arg7[%get3A_156, %get3A_157] {strides = array<i32>} : memref<200x128xf32, #tpu.memory_space<vmem>>, vector<1x16xf32>,
      %get3A_159 = vector.shape_cast %get3A_158 : vector<1x16xf32> to vector<16xf32>
      %add3A_160 = arith.constant 50 : i32
      %add3A_161 = arith.addi %add3A_160, %scan3A_92 : i32
      %swap3A_162 = arith.index_cast %add3A_161 : i32 to index
      %swap3A_163 = arith.constant 64 : index
      %swap3A_164 = tpu.vector_load %arg8[%swap3A_162, %swap3A_163] {strides = array<i32>} : memref<196x256xf32, #tpu.memory_space<vmem>>, vector<1x16xf32>,
      %swap3A_165 = vector.shape_cast %swap3A_164 : vector<1x16xf32> to vector<16xf32>
      %swap3A_166 = vector.shape_cast %get3A_159 : vector<16xf32> to vector<1x16xf32>
      tpu.vector_store %arg8[%swap3A_162, %swap3A_163], %swap3A_166 {strides = array<i32>} : memref<196x256xf32, #tpu.memory_space<vmem>>, vector<1x16xf32>,
      %mul3A_167 = arith.constant 4 : i32
      %mul3A_168 = arith.muli %mul3A_167, %scan3A_92 : i32
      %add3A_169 = arith.constant 1 : i32
      %add3A_170 = arith.addi %mul3A_168, %add3A_169 : i32
      %get3A_171 = arith.index_cast %add3A_170 : i32 to index
      %get3A_172 = arith.constant 16 : index
      %get3A_173 = tpu.vector_load %arg7[%get3A_171, %get3A_172] {strides = array<i32>} : memref<200x128xf32, #tpu.memory_space<vmem>>, vector<1x16xf32>,
      %get3A_174 = vector.shape_cast %get3A_173 : vector<1x16xf32> to vector<16xf32>
      %add3A_175 = arith.constant 50 : i32
      %add3A_176 = arith.addi %add3A_175, %scan3A_92 : i32
      %swap3A_177 = arith.index_cast %add3A_176 : i32 to index
      %swap3A_178 = arith.constant 80 : index
      %swap3A_179 = tpu.vector_load %arg8[%swap3A_177, %swap3A_178] {strides = array<i32>} : memref<196x256xf32, #tpu.memory_space<vmem>>, vector<1x16xf32>,
      %swap3A_180 = vector.shape_cast %swap3A_179 : vector<1x16xf32> to vector<16xf32>
      %swap3A_181 = vector.shape_cast %get3A_174 : vector<16xf32> to vector<1x16xf32>
      tpu.vector_store %arg8[%swap3A_177, %swap3A_178], %swap3A_181 {strides = array<i32>} : memref<196x256xf32, #tpu.memory_space<vmem>>, vector<1x16xf32>,
      %mul3A_182 = arith.constant 4 : i32
      %mul3A_183 = arith.muli %mul3A_182, %scan3A_92 : i32
      %add3A_184 = arith.constant 1 : i32
      %add3A_185 = arith.addi %mul3A_183, %add3A_184 : i32
      %get3A_186 = arith.index_cast %add3A_185 : i32 to index
      %get3A_187 = arith.constant 32 : index
      %get3A_188 = tpu.vector_load %arg7[%get3A_186, %get3A_187] {strides = array<i32>} : memref<200x128xf32, #tpu.memory_space<vmem>>, vector<1x16xf32>,
      %get3A_189 = vector.shape_cast %get3A_188 : vector<1x16xf32> to vector<16xf32>
      %add3A_190 = arith.constant 50 : i32
      %add3A_191 = arith.addi %add3A_190, %scan3A_92 : i32
      %swap3A_192 = arith.index_cast %add3A_191 : i32 to index
      %swap3A_193 = arith.constant 96 : index
      %swap3A_194 = tpu.vector_load %arg8[%swap3A_192, %swap3A_193] {strides = array<i32>} : memref<196x256xf32, #tpu.memory_space<vmem>>, vector<1x16xf32>,
      %swap3A_195 = vector.shape_cast %swap3A_194 : vector<1x16xf32> to vector<16xf32>
      %swap3A_196 = vector.shape_cast %get3A_189 : vector<16xf32> to vector<1x16xf32>
      tpu.vector_store %arg8[%swap3A_192, %swap3A_193], %swap3A_196 {strides = array<i32>} : memref<196x256xf32, #tpu.memory_space<vmem>>, vector<1x16xf32>,
      %mul3A_197 = arith.constant 4 : i32
      %mul3A_198 = arith.muli %mul3A_197, %scan3A_92 : i32
      %add3A_199 = arith.constant 1 : i32
      %add3A_200 = arith.addi %mul3A_198, %add3A_199 : i32
      %get3A_201 = arith.index_cast %add3A_200 : i32 to index
      %get3A_202 = arith.constant 48 : index
      %get3A_203 = tpu.vector_load %arg7[%get3A_201, %get3A_202] {strides = array<i32>} : memref<200x128xf32, #tpu.memory_space<vmem>>, vector<1x16xf32>,
      %get3A_204 = vector.shape_cast %get3A_203 : vector<1x16xf32> to vector<16xf32>
      %add3A_205 = arith.constant 50 : i32
      %add3A_206 = arith.addi %add3A_205, %scan3A_92 : i32
      %swap3A_207 = arith.index_cast %add3A_206 : i32 to index
      %swap3A_208 = arith.constant 112 : index
      %swap3A_209 = tpu.vector_load %arg8[%swap3A_207, %swap3A_208] {strides = array<i32>} : memref<196x256xf32, #tpu.memory_space<vmem>>, vector<1x16xf32>,
      %swap3A_210 = vector.shape_cast %swap3A_209 : vector<1x16xf32> to vector<16xf32>
      %swap3A_211 = vector.shape_cast %get3A_204 : vector<16xf32> to vector<1x16xf32>
      tpu.vector_store %arg8[%swap3A_207, %swap3A_208], %swap3A_211 {strides = array<i32>} : memref<196x256xf32, #tpu.memory_space<vmem>>, vector<1x16xf32>,
      %mul3A_212 = arith.constant 4 : i32
      %mul3A_213 = arith.muli %mul3A_212, %scan3A_92 : i32
      %add3A_214 = arith.constant 2 : i32
      %add3A_215 = arith.addi %mul3A_213, %add3A_214 : i32
      %get3A_216 = arith.index_cast %add3A_215 : i32 to index
      %get3A_217 = arith.constant 0 : index
      %get3A_218 = tpu.vector_load %arg7[%get3A_216, %get3A_217] {strides = array<i32>} : memref<200x128xf32, #tpu.memory_space<vmem>>, vector<1x16xf32>,
      %get3A_219 = vector.shape_cast %get3A_218 : vector<1x16xf32> to vector<16xf32>
      %add3A_220 = arith.constant 50 : i32
      %add3A_221 = arith.addi %add3A_220, %scan3A_92 : i32
      %swap3A_222 = arith.index_cast %add3A_221 : i32 to index
      %swap3A_223 = arith.constant 128 : index
      %swap3A_224 = tpu.vector_load %arg8[%swap3A_222, %swap3A_223] {strides = array<i32>} : memref<196x256xf32, #tpu.memory_space<vmem>>, vector<1x16xf32>,
      %swap3A_225 = vector.shape_cast %swap3A_224 : vector<1x16xf32> to vector<16xf32>
      %swap3A_226 = vector.shape_cast %get3A_219 : vector<16xf32> to vector<1x16xf32>
      tpu.vector_store %arg8[%swap3A_222, %swap3A_223], %swap3A_226 {strides = array<i32>} : memref<196x256xf32, #tpu.memory_space<vmem>>, vector<1x16xf32>,
      %mul3A_227 = arith.constant 4 : i32
      %mul3A_228 = arith.muli %mul3A_227, %scan3A_92 : i32
      %add3A_229 = arith.constant 2 : i32
      %add3A_230 = arith.addi %mul3A_228, %add3A_229 : i32
      %get3A_231 = arith.index_cast %add3A_230 : i32 to index
      %get3A_232 = arith.constant 16 : index
      %get3A_233 = tpu.vector_load %arg7[%get3A_231, %get3A_232] {strides = array<i32>} : memref<200x128xf32, #tpu.memory_space<vmem>>, vector<1x16xf32>,
      %get3A_234 = vector.shape_cast %get3A_233 : vector<1x16xf32> to vector<16xf32>
      %add3A_235 = arith.constant 50 : i32
      %add3A_236 = arith.addi %add3A_235, %scan3A_92 : i32
      %swap3A_237 = arith.index_cast %add3A_236 : i32 to index
      %swap3A_238 = arith.constant 144 : index
      %swap3A_239 = tpu.vector_load %arg8[%swap3A_237, %swap3A_238] {strides = array<i32>} : memref<196x256xf32, #tpu.memory_space<vmem>>, vector<1x16xf32>,
      %swap3A_240 = vector.shape_cast %swap3A_239 : vector<1x16xf32> to vector<16xf32>
      %swap3A_241 = vector.shape_cast %get3A_234 : vector<16xf32> to vector<1x16xf32>
      tpu.vector_store %arg8[%swap3A_237, %swap3A_238], %swap3A_241 {strides = array<i32>} : memref<196x256xf32, #tpu.memory_space<vmem>>, vector<1x16xf32>,
      %mul3A_242 = arith.constant 4 : i32
      %mul3A_243 = arith.muli %mul3A_242, %scan3A_92 : i32
      %add3A_244 = arith.constant 2 : i32
      %add3A_245 = arith.addi %mul3A_243, %add3A_244 : i32
      %get3A_246 = arith.index_cast %add3A_245 : i32 to index
      %get3A_247 = arith.constant 32 : index
      %get3A_248 = tpu.vector_load %arg7[%get3A_246, %get3A_247] {strides = array<i32>} : memref<200x128xf32, #tpu.memory_space<vmem>>, vector<1x16xf32>,
      %get3A_249 = vector.shape_cast %get3A_248 : vector<1x16xf32> to vector<16xf32>
      %add3A_250 = arith.constant 50 : i32
      %add3A_251 = arith.addi %add3A_250, %scan3A_92 : i32
      %swap3A_252 = arith.index_cast %add3A_251 : i32 to index
      %swap3A_253 = arith.constant 160 : index
      %swap3A_254 = tpu.vector_load %arg8[%swap3A_252, %swap3A_253] {strides = array<i32>} : memref<196x256xf32, #tpu.memory_space<vmem>>, vector<1x16xf32>,
      %swap3A_255 = vector.shape_cast %swap3A_254 : vector<1x16xf32> to vector<16xf32>
      %swap3A_256 = vector.shape_cast %get3A_249 : vector<16xf32> to vector<1x16xf32>
      tpu.vector_store %arg8[%swap3A_252, %swap3A_253], %swap3A_256 {strides = array<i32>} : memref<196x256xf32, #tpu.memory_space<vmem>>, vector<1x16xf32>,
      %mul3A_257 = arith.constant 4 : i32
      %mul3A_258 = arith.muli %mul3A_257, %scan3A_92 : i32
      %add3A_259 = arith.constant 2 : i32
      %add3A_260 = arith.addi %mul3A_258, %add3A_259 : i32
      %get3A_261 = arith.index_cast %add3A_260 : i32 to index
      %get3A_262 = arith.constant 48 : index
      %get3A_263 = tpu.vector_load %arg7[%get3A_261, %get3A_262] {strides = array<i32>} : memref<200x128xf32, #tpu.memory_space<vmem>>, vector<1x16xf32>,
      %get3A_264 = vector.shape_cast %get3A_263 : vector<1x16xf32> to vector<16xf32>
      %add3A_265 = arith.constant 50 : i32
      %add3A_266 = arith.addi %add3A_265, %scan3A_92 : i32
      %swap3A_267 = arith.index_cast %add3A_266 : i32 to index
      %swap3A_268 = arith.constant 176 : index
      %swap3A_269 = tpu.vector_load %arg8[%swap3A_267, %swap3A_268] {strides = array<i32>} : memref<196x256xf32, #tpu.memory_space<vmem>>, vector<1x16xf32>,
      %swap3A_270 = vector.shape_cast %swap3A_269 : vector<1x16xf32> to vector<16xf32>
      %swap3A_271 = vector.shape_cast %get3A_264 : vector<16xf32> to vector<1x16xf32>
      tpu.vector_store %arg8[%swap3A_267, %swap3A_268], %swap3A_271 {strides = array<i32>} : memref<196x256xf32, #tpu.memory_space<vmem>>, vector<1x16xf32>,
      %mul3A_272 = arith.constant 4 : i32
      %mul3A_273 = arith.muli %mul3A_272, %scan3A_92 : i32
      %add3A_274 = arith.constant 3 : i32
      %add3A_275 = arith.addi %mul3A_273, %add3A_274 : i32
      %get3A_276 = arith.index_cast %add3A_275 : i32 to index
      %get3A_277 = arith.constant 0 : index
      %get3A_278 = tpu.vector_load %arg7[%get3A_276, %get3A_277] {strides = array<i32>} : memref<200x128xf32, #tpu.memory_space<vmem>>, vector<1x16xf32>,
      %get3A_279 = vector.shape_cast %get3A_278 : vector<1x16xf32> to vector<16xf32>
      %add3A_280 = arith.constant 50 : i32
      %add3A_281 = arith.addi %add3A_280, %scan3A_92 : i32
      %swap3A_282 = arith.index_cast %add3A_281 : i32 to index
      %swap3A_283 = arith.constant 192 : index
      %swap3A_284 = tpu.vector_load %arg8[%swap3A_282, %swap3A_283] {strides = array<i32>} : memref<196x256xf32, #tpu.memory_space<vmem>>, vector<1x16xf32>,
      %swap3A_285 = vector.shape_cast %swap3A_284 : vector<1x16xf32> to vector<16xf32>
      %swap3A_286 = vector.shape_cast %get3A_279 : vector<16xf32> to vector<1x16xf32>
      tpu.vector_store %arg8[%swap3A_282, %swap3A_283], %swap3A_286 {strides = array<i32>} : memref<196x256xf32, #tpu.memory_space<vmem>>, vector<1x16xf32>,
      %mul3A_287 = arith.constant 4 : i32
      %mul3A_288 = arith.muli %mul3A_287, %scan3A_92 : i32
      %add3A_289 = arith.constant 3 : i32
      %add3A_290 = arith.addi %mul3A_288, %add3A_289 : i32
      %get3A_291 = arith.index_cast %add3A_290 : i32 to index
      %get3A_292 = arith.constant 16 : index
      %get3A_293 = tpu.vector_load %arg7[%get3A_291, %get3A_292] {strides = array<i32>} : memref<200x128xf32, #tpu.memory_space<vmem>>, vector<1x16xf32>,
      %get3A_294 = vector.shape_cast %get3A_293 : vector<1x16xf32> to vector<16xf32>
      %add3A_295 = arith.constant 50 : i32
      %add3A_296 = arith.addi %add3A_295, %scan3A_92 : i32
      %swap3A_297 = arith.index_cast %add3A_296 : i32 to index
      %swap3A_298 = arith.constant 208 : index
      %swap3A_299 = tpu.vector_load %arg8[%swap3A_297, %swap3A_298] {strides = array<i32>} : memref<196x256xf32, #tpu.memory_space<vmem>>, vector<1x16xf32>,
      %swap3A_300 = vector.shape_cast %swap3A_299 : vector<1x16xf32> to vector<16xf32>
      %swap3A_301 = vector.shape_cast %get3A_294 : vector<16xf32> to vector<1x16xf32>
      tpu.vector_store %arg8[%swap3A_297, %swap3A_298], %swap3A_301 {strides = array<i32>} : memref<196x256xf32, #tpu.memory_space<vmem>>, vector<1x16xf32>,
      %mul3A_302 = arith.constant 4 : i32
      %mul3A_303 = arith.muli %mul3A_302, %scan3A_92 : i32
      %add3A_304 = arith.constant 3 : i32
      %add3A_305 = arith.addi %mul3A_303, %add3A_304 : i32
      %get3A_306 = arith.index_cast %add3A_305 : i32 to index
      %get3A_307 = arith.constant 32 : index
      %get3A_308 = tpu.vector_load %arg7[%get3A_306, %get3A_307] {strides = array<i32>} : memref<200x128xf32, #tpu.memory_space<vmem>>, vector<1x16xf32>,
      %get3A_309 = vector.shape_cast %get3A_308 : vector<1x16xf32> to vector<16xf32>
      %add3A_310 = arith.constant 50 : i32
      %add3A_311 = arith.addi %add3A_310, %scan3A_92 : i32
      %swap3A_312 = arith.index_cast %add3A_311 : i32 to index
      %swap3A_313 = arith.constant 224 : index
      %swap3A_314 = tpu.vector_load %arg8[%swap3A_312, %swap3A_313] {strides = array<i32>} : memref<196x256xf32, #tpu.memory_space<vmem>>, vector<1x16xf32>,
      %swap3A_315 = vector.shape_cast %swap3A_314 : vector<1x16xf32> to vector<16xf32>
      %swap3A_316 = vector.shape_cast %get3A_309 : vector<16xf32> to vector<1x16xf32>
      tpu.vector_store %arg8[%swap3A_312, %swap3A_313], %swap3A_316 {strides = array<i32>} : memref<196x256xf32, #tpu.memory_space<vmem>>, vector<1x16xf32>,
      %mul3A_317 = arith.constant 4 : i32
      %mul3A_318 = arith.muli %mul3A_317, %scan3A_92 : i32
      %add3A_319 = arith.constant 3 : i32
      %add3A_320 = arith.addi %mul3A_318, %add3A_319 : i32
      %get3A_321 = arith.index_cast %add3A_320 : i32 to index
      %get3A_322 = arith.constant 48 : index
      %get3A_323 = tpu.vector_load %arg7[%get3A_321, %get3A_322] {strides = array<i32>} : memref<200x128xf32, #tpu.memory_space<vmem>>, vector<1x16xf32>,
      %get3A_324 = vector.shape_cast %get3A_323 : vector<1x16xf32> to vector<16xf32>
      %add3A_325 = arith.constant 50 : i32
      %add3A_326 = arith.addi %add3A_325, %scan3A_92 : i32
      %swap3A_327 = arith.index_cast %add3A_326 : i32 to index
      %swap3A_328 = arith.constant 240 : index
      %swap3A_329 = tpu.vector_load %arg8[%swap3A_327, %swap3A_328] {strides = array<i32>} : memref<196x256xf32, #tpu.memory_space<vmem>>, vector<1x16xf32>,
      %swap3A_330 = vector.shape_cast %swap3A_329 : vector<1x16xf32> to vector<16xf32>
      %swap3A_331 = vector.shape_cast %get3A_324 : vector<16xf32> to vector<1x16xf32>
      tpu.vector_store %arg8[%swap3A_327, %swap3A_328], %swap3A_331 {strides = array<i32>} : memref<196x256xf32, #tpu.memory_space<vmem>>, vector<1x16xf32>,
      %scan3A_332 = arith.constant 0 : i32
      scf.yield %scan3A_332 : i32
    }
    %scan3A_53 = arith.constant 50 : i32
    %dma_start3A_54 = arith.constant 0 : i32
    %dma_start3A_55 = arith.constant 0 : i32
    %dma_start3A_56 = tpu.memref_slice %arg7[%dma_start3A_54, %dma_start3A_55] : memref<200x128xf32, #tpu.memory_space<vmem>> -> memref<184x128xf32, #tpu.memory_space<vmem>>
    %dma_start3A_57 = arith.constant 600 : i32
    %dma_start3A_58 = tpu.memref_slice %arg5[%dma_start3A_57] : memref<784xi32, #tpu.memory_space<vmem>> -> memref<184xi32, #tpu.memory_space<vmem>>
    %dma_start3A_59 = arith.constant 0 : i32
    %dma_start3A_60 = arith.constant 0 : i32
    %dma_start3A_61 = tpu.memref_slice %arg2[%dma_start3A_59, %dma_start3A_60] : memref<2048x128xf32, #tpu.memory_space<hbm>> -> memref<2048x128xf32, #tpu.memory_space<hbm>>
    tpu.enqueue_indirect_dma source(%dma_start3A_61 : memref<2048x128xf32, #tpu.memory_space<hbm>>) target(%dma_start3A_56 : memref<184x128xf32, #tpu.memory_space<vmem>>) offsets(%dma_start3A_58 : memref<184xi32, #tpu.memory_space<vmem>>) semaphore(%arg10 : memref<!tpu.dma_semaphore, #tpu.memory_space<semaphore_mem>>)
    %dma_wait3A_62 = arith.constant 0 : i32
    %dma_wait3A_63 = arith.constant 0 : i32
    %dma_wait3A_64 = tpu.memref_slice %arg6[%dma_wait3A_62, %dma_wait3A_63] : memref<200x128xf32, #tpu.memory_space<vmem>> -> memref<200x128xf32, #tpu.memory_space<vmem>>
    %dma_wait3A_65 = arith.constant 400 : i32
    %dma_wait3A_66 = tpu.memref_slice %arg5[%dma_wait3A_65] : memref<784xi32, #tpu.memory_space<vmem>> -> memref<200xi32, #tpu.memory_space<vmem>>
    %dma_wait3A_67 = arith.constant 0 : i32
    %dma_wait3A_68 = arith.constant 0 : i32
    %dma_wait3A_69 = tpu.memref_slice %arg2[%dma_wait3A_67, %dma_wait3A_68] : memref<2048x128xf32, #tpu.memory_space<hbm>> -> memref<2048x128xf32, #tpu.memory_space<hbm>>
    tpu.wait_indirect_dma semaphore(%arg9 : memref<!tpu.dma_semaphore, #tpu.memory_space<semaphore_mem>>) src(%dma_wait3A_69 : memref<2048x128xf32, #tpu.memory_space<hbm>>) dst(%dma_wait3A_64 : memref<200x128xf32, #tpu.memory_space<vmem>>)
    %scan3A_70 = arith.constant 0 : i32
    %scan3A_71 = arith.constant 0 : i32
    %scan3A_72 = arith.constant 50 : i32
    %scan3A_73 = arith.addi %scan3A_71, %scan3A_72 : i32
    %scan3A_74 = arith.constant 1 : i32
    %scan3A_75 = scf.for %scan3A_92 = %scan3A_71 to %scan3A_73 step %scan3A_74 iter_args(%scan3A_93 = %scan3A_70) -> (i32)  : i32 {
      %mul3A_94 = arith.constant 4 : i32
      %mul3A_95 = arith.muli %mul3A_94, %scan3A_92 : i32
      %add3A_96 = arith.constant 0 : i32
      %add3A_97 = arith.addi %mul3A_95, %add3A_96 : i32
      %get3A = arith.index_cast %add3A_97 : i32 to index
      %get3A_98 = arith.constant 0 : index
      %get3A_99 = tpu.vector_load %arg6[%get3A, %get3A_98] {strides = array<i32>} : memref<200x128xf32, #tpu.memory_space<vmem>>, vector<1x16xf32>,
      %get3A_100 = vector.shape_cast %get3A_99 : vector<1x16xf32> to vector<16xf32>
      %add3A_101 = arith.constant 100 : i32
      %add3A_102 = arith.addi %add3A_101, %scan3A_92 : i32
      %swap3A = arith.index_cast %add3A_102 : i32 to index
      %swap3A_103 = arith.constant 0 : index
      %swap3A_104 = tpu.vector_load %arg8[%swap3A, %swap3A_103] {strides = array<i32>} : memref<196x256xf32, #tpu.memory_space<vmem>>, vector<1x16xf32>,
      %swap3A_105 = vector.shape_cast %swap3A_104 : vector<1x16xf32> to vector<16xf32>
      %swap3A_106 = vector.shape_cast %get3A_100 : vector<16xf32> to vector<1x16xf32>
      tpu.vector_store %arg8[%swap3A, %swap3A_103], %swap3A_106 {strides = array<i32>} : memref<196x256xf32, #tpu.memory_space<vmem>>, vector<1x16xf32>,
      %mul3A_107 = arith.constant 4 : i32
      %mul3A_108 = arith.muli %mul3A_107, %scan3A_92 : i32
      %add3A_109 = arith.constant 0 : i32
      %add3A_110 = arith.addi %mul3A_108, %add3A_109 : i32
      %get3A_111 = arith.index_cast %add3A_110 : i32 to index
      %get3A_112 = arith.constant 16 : index
      %get3A_113 = tpu.vector_load %arg6[%get3A_111, %get3A_112] {strides = array<i32>} : memref<200x128xf32, #tpu.memory_space<vmem>>, vector<1x16xf32>,
      %get3A_114 = vector.shape_cast %get3A_113 : vector<1x16xf32> to vector<16xf32>
      %add3A_115 = arith.constant 100 : i32
      %add3A_116 = arith.addi %add3A_115, %scan3A_92 : i32
      %swap3A_117 = arith.index_cast %add3A_116 : i32 to index
      %swap3A_118 = arith.constant 16 : index
      %swap3A_119 = tpu.vector_load %arg8[%swap3A_117, %swap3A_118] {strides = array<i32>} : memref<196x256xf32, #tpu.memory_space<vmem>>, vector<1x16xf32>,
      %swap3A_120 = vector.shape_cast %swap3A_119 : vector<1x16xf32> to vector<16xf32>
      %swap3A_121 = vector.shape_cast %get3A_114 : vector<16xf32> to vector<1x16xf32>
      tpu.vector_store %arg8[%swap3A_117, %swap3A_118], %swap3A_121 {strides = array<i32>} : memref<196x256xf32, #tpu.memory_space<vmem>>, vector<1x16xf32>,
      %mul3A_122 = arith.constant 4 : i32
      %mul3A_123 = arith.muli %mul3A_122, %scan3A_92 : i32
      %add3A_124 = arith.constant 0 : i32
      %add3A_125 = arith.addi %mul3A_123, %add3A_124 : i32
      %get3A_126 = arith.index_cast %add3A_125 : i32 to index
      %get3A_127 = arith.constant 32 : index
      %get3A_128 = tpu.vector_load %arg6[%get3A_126, %get3A_127] {strides = array<i32>} : memref<200x128xf32, #tpu.memory_space<vmem>>, vector<1x16xf32>,
      %get3A_129 = vector.shape_cast %get3A_128 : vector<1x16xf32> to vector<16xf32>
      %add3A_130 = arith.constant 100 : i32
      %add3A_131 = arith.addi %add3A_130, %scan3A_92 : i32
      %swap3A_132 = arith.index_cast %add3A_131 : i32 to index
      %swap3A_133 = arith.constant 32 : index
      %swap3A_134 = tpu.vector_load %arg8[%swap3A_132, %swap3A_133] {strides = array<i32>} : memref<196x256xf32, #tpu.memory_space<vmem>>, vector<1x16xf32>,
      %swap3A_135 = vector.shape_cast %swap3A_134 : vector<1x16xf32> to vector<16xf32>
      %swap3A_136 = vector.shape_cast %get3A_129 : vector<16xf32> to vector<1x16xf32>
      tpu.vector_store %arg8[%swap3A_132, %swap3A_133], %swap3A_136 {strides = array<i32>} : memref<196x256xf32, #tpu.memory_space<vmem>>, vector<1x16xf32>,
      %mul3A_137 = arith.constant 4 : i32
      %mul3A_138 = arith.muli %mul3A_137, %scan3A_92 : i32
      %add3A_139 = arith.constant 0 : i32
      %add3A_140 = arith.addi %mul3A_138, %add3A_139 : i32
      %get3A_141 = arith.index_cast %add3A_140 : i32 to index
      %get3A_142 = arith.constant 48 : index
      %get3A_143 = tpu.vector_load %arg6[%get3A_141, %get3A_142] {strides = array<i32>} : memref<200x128xf32, #tpu.memory_space<vmem>>, vector<1x16xf32>,
      %get3A_144 = vector.shape_cast %get3A_143 : vector<1x16xf32> to vector<16xf32>
      %add3A_145 = arith.constant 100 : i32
      %add3A_146 = arith.addi %add3A_145, %scan3A_92 : i32
      %swap3A_147 = arith.index_cast %add3A_146 : i32 to index
      %swap3A_148 = arith.constant 48 : index
      %swap3A_149 = tpu.vector_load %arg8[%swap3A_147, %swap3A_148] {strides = array<i32>} : memref<196x256xf32, #tpu.memory_space<vmem>>, vector<1x16xf32>,
      %swap3A_150 = vector.shape_cast %swap3A_149 : vector<1x16xf32> to vector<16xf32>
      %swap3A_151 = vector.shape_cast %get3A_144 : vector<16xf32> to vector<1x16xf32>
      tpu.vector_store %arg8[%swap3A_147, %swap3A_148], %swap3A_151 {strides = array<i32>} : memref<196x256xf32, #tpu.memory_space<vmem>>, vector<1x16xf32>,
      %mul3A_152 = arith.constant 4 : i32
      %mul3A_153 = arith.muli %mul3A_152, %scan3A_92 : i32
      %add3A_154 = arith.constant 1 : i32
      %add3A_155 = arith.addi %mul3A_153, %add3A_154 : i32
      %get3A_156 = arith.index_cast %add3A_155 : i32 to index
      %get3A_157 = arith.constant 0 : index
      %get3A_158 = tpu.vector_load %arg6[%get3A_156, %get3A_157] {strides = array<i32>} : memref<200x128xf32, #tpu.memory_space<vmem>>, vector<1x16xf32>,
      %get3A_159 = vector.shape_cast %get3A_158 : vector<1x16xf32> to vector<16xf32>
      %add3A_160 = arith.constant 100 : i32
      %add3A_161 = arith.addi %add3A_160, %scan3A_92 : i32
      %swap3A_162 = arith.index_cast %add3A_161 : i32 to index
      %swap3A_163 = arith.constant 64 : index
      %swap3A_164 = tpu.vector_load %arg8[%swap3A_162, %swap3A_163] {strides = array<i32>} : memref<196x256xf32, #tpu.memory_space<vmem>>, vector<1x16xf32>,
      %swap3A_165 = vector.shape_cast %swap3A_164 : vector<1x16xf32> to vector<16xf32>
      %swap3A_166 = vector.shape_cast %get3A_159 : vector<16xf32> to vector<1x16xf32>
      tpu.vector_store %arg8[%swap3A_162, %swap3A_163], %swap3A_166 {strides = array<i32>} : memref<196x256xf32, #tpu.memory_space<vmem>>, vector<1x16xf32>,
      %mul3A_167 = arith.constant 4 : i32
      %mul3A_168 = arith.muli %mul3A_167, %scan3A_92 : i32
      %add3A_169 = arith.constant 1 : i32
      %add3A_170 = arith.addi %mul3A_168, %add3A_169 : i32
      %get3A_171 = arith.index_cast %add3A_170 : i32 to index
      %get3A_172 = arith.constant 16 : index
      %get3A_173 = tpu.vector_load %arg6[%get3A_171, %get3A_172] {strides = array<i32>} : memref<200x128xf32, #tpu.memory_space<vmem>>, vector<1x16xf32>,
      %get3A_174 = vector.shape_cast %get3A_173 : vector<1x16xf32> to vector<16xf32>
      %add3A_175 = arith.constant 100 : i32
      %add3A_176 = arith.addi %add3A_175, %scan3A_92 : i32
      %swap3A_177 = arith.index_cast %add3A_176 : i32 to index
      %swap3A_178 = arith.constant 80 : index
      %swap3A_179 = tpu.vector_load %arg8[%swap3A_177, %swap3A_178] {strides = array<i32>} : memref<196x256xf32, #tpu.memory_space<vmem>>, vector<1x16xf32>,
      %swap3A_180 = vector.shape_cast %swap3A_179 : vector<1x16xf32> to vector<16xf32>
      %swap3A_181 = vector.shape_cast %get3A_174 : vector<16xf32> to vector<1x16xf32>
      tpu.vector_store %arg8[%swap3A_177, %swap3A_178], %swap3A_181 {strides = array<i32>} : memref<196x256xf32, #tpu.memory_space<vmem>>, vector<1x16xf32>,
      %mul3A_182 = arith.constant 4 : i32
      %mul3A_183 = arith.muli %mul3A_182, %scan3A_92 : i32
      %add3A_184 = arith.constant 1 : i32
      %add3A_185 = arith.addi %mul3A_183, %add3A_184 : i32
      %get3A_186 = arith.index_cast %add3A_185 : i32 to index
      %get3A_187 = arith.constant 32 : index
      %get3A_188 = tpu.vector_load %arg6[%get3A_186, %get3A_187] {strides = array<i32>} : memref<200x128xf32, #tpu.memory_space<vmem>>, vector<1x16xf32>,
      %get3A_189 = vector.shape_cast %get3A_188 : vector<1x16xf32> to vector<16xf32>
      %add3A_190 = arith.constant 100 : i32
      %add3A_191 = arith.addi %add3A_190, %scan3A_92 : i32
      %swap3A_192 = arith.index_cast %add3A_191 : i32 to index
      %swap3A_193 = arith.constant 96 : index
      %swap3A_194 = tpu.vector_load %arg8[%swap3A_192, %swap3A_193] {strides = array<i32>} : memref<196x256xf32, #tpu.memory_space<vmem>>, vector<1x16xf32>,
      %swap3A_195 = vector.shape_cast %swap3A_194 : vector<1x16xf32> to vector<16xf32>
      %swap3A_196 = vector.shape_cast %get3A_189 : vector<16xf32> to vector<1x16xf32>
      tpu.vector_store %arg8[%swap3A_192, %swap3A_193], %swap3A_196 {strides = array<i32>} : memref<196x256xf32, #tpu.memory_space<vmem>>, vector<1x16xf32>,
      %mul3A_197 = arith.constant 4 : i32
      %mul3A_198 = arith.muli %mul3A_197, %scan3A_92 : i32
      %add3A_199 = arith.constant 1 : i32
      %add3A_200 = arith.addi %mul3A_198, %add3A_199 : i32
      %get3A_201 = arith.index_cast %add3A_200 : i32 to index
      %get3A_202 = arith.constant 48 : index
      %get3A_203 = tpu.vector_load %arg6[%get3A_201, %get3A_202] {strides = array<i32>} : memref<200x128xf32, #tpu.memory_space<vmem>>, vector<1x16xf32>,
      %get3A_204 = vector.shape_cast %get3A_203 : vector<1x16xf32> to vector<16xf32>
      %add3A_205 = arith.constant 100 : i32
      %add3A_206 = arith.addi %add3A_205, %scan3A_92 : i32
      %swap3A_207 = arith.index_cast %add3A_206 : i32 to index
      %swap3A_208 = arith.constant 112 : index
      %swap3A_209 = tpu.vector_load %arg8[%swap3A_207, %swap3A_208] {strides = array<i32>} : memref<196x256xf32, #tpu.memory_space<vmem>>, vector<1x16xf32>,
      %swap3A_210 = vector.shape_cast %swap3A_209 : vector<1x16xf32> to vector<16xf32>
      %swap3A_211 = vector.shape_cast %get3A_204 : vector<16xf32> to vector<1x16xf32>
      tpu.vector_store %arg8[%swap3A_207, %swap3A_208], %swap3A_211 {strides = array<i32>} : memref<196x256xf32, #tpu.memory_space<vmem>>, vector<1x16xf32>,
      %mul3A_212 = arith.constant 4 : i32
      %mul3A_213 = arith.muli %mul3A_212, %scan3A_92 : i32
      %add3A_214 = arith.constant 2 : i32
      %add3A_215 = arith.addi %mul3A_213, %add3A_214 : i32
      %get3A_216 = arith.index_cast %add3A_215 : i32 to index
      %get3A_217 = arith.constant 0 : index
      %get3A_218 = tpu.vector_load %arg6[%get3A_216, %get3A_217] {strides = array<i32>} : memref<200x128xf32, #tpu.memory_space<vmem>>, vector<1x16xf32>,
      %get3A_219 = vector.shape_cast %get3A_218 : vector<1x16xf32> to vector<16xf32>
      %add3A_220 = arith.constant 100 : i32
      %add3A_221 = arith.addi %add3A_220, %scan3A_92 : i32
      %swap3A_222 = arith.index_cast %add3A_221 : i32 to index
      %swap3A_223 = arith.constant 128 : index
      %swap3A_224 = tpu.vector_load %arg8[%swap3A_222, %swap3A_223] {strides = array<i32>} : memref<196x256xf32, #tpu.memory_space<vmem>>, vector<1x16xf32>,
      %swap3A_225 = vector.shape_cast %swap3A_224 : vector<1x16xf32> to vector<16xf32>
      %swap3A_226 = vector.shape_cast %get3A_219 : vector<16xf32> to vector<1x16xf32>
      tpu.vector_store %arg8[%swap3A_222, %swap3A_223], %swap3A_226 {strides = array<i32>} : memref<196x256xf32, #tpu.memory_space<vmem>>, vector<1x16xf32>,
      %mul3A_227 = arith.constant 4 : i32
      %mul3A_228 = arith.muli %mul3A_227, %scan3A_92 : i32
      %add3A_229 = arith.constant 2 : i32
      %add3A_230 = arith.addi %mul3A_228, %add3A_229 : i32
      %get3A_231 = arith.index_cast %add3A_230 : i32 to index
      %get3A_232 = arith.constant 16 : index
      %get3A_233 = tpu.vector_load %arg6[%get3A_231, %get3A_232] {strides = array<i32>} : memref<200x128xf32, #tpu.memory_space<vmem>>, vector<1x16xf32>,
      %get3A_234 = vector.shape_cast %get3A_233 : vector<1x16xf32> to vector<16xf32>
      %add3A_235 = arith.constant 100 : i32
      %add3A_236 = arith.addi %add3A_235, %scan3A_92 : i32
      %swap3A_237 = arith.index_cast %add3A_236 : i32 to index
      %swap3A_238 = arith.constant 144 : index
      %swap3A_239 = tpu.vector_load %arg8[%swap3A_237, %swap3A_238] {strides = array<i32>} : memref<196x256xf32, #tpu.memory_space<vmem>>, vector<1x16xf32>,
      %swap3A_240 = vector.shape_cast %swap3A_239 : vector<1x16xf32> to vector<16xf32>
      %swap3A_241 = vector.shape_cast %get3A_234 : vector<16xf32> to vector<1x16xf32>
      tpu.vector_store %arg8[%swap3A_237, %swap3A_238], %swap3A_241 {strides = array<i32>} : memref<196x256xf32, #tpu.memory_space<vmem>>, vector<1x16xf32>,
      %mul3A_242 = arith.constant 4 : i32
      %mul3A_243 = arith.muli %mul3A_242, %scan3A_92 : i32
      %add3A_244 = arith.constant 2 : i32
      %add3A_245 = arith.addi %mul3A_243, %add3A_244 : i32
      %get3A_246 = arith.index_cast %add3A_245 : i32 to index
      %get3A_247 = arith.constant 32 : index
      %get3A_248 = tpu.vector_load %arg6[%get3A_246, %get3A_247] {strides = array<i32>} : memref<200x128xf32, #tpu.memory_space<vmem>>, vector<1x16xf32>,
      %get3A_249 = vector.shape_cast %get3A_248 : vector<1x16xf32> to vector<16xf32>
      %add3A_250 = arith.constant 100 : i32
      %add3A_251 = arith.addi %add3A_250, %scan3A_92 : i32
      %swap3A_252 = arith.index_cast %add3A_251 : i32 to index
      %swap3A_253 = arith.constant 160 : index
      %swap3A_254 = tpu.vector_load %arg8[%swap3A_252, %swap3A_253] {strides = array<i32>} : memref<196x256xf32, #tpu.memory_space<vmem>>, vector<1x16xf32>,
      %swap3A_255 = vector.shape_cast %swap3A_254 : vector<1x16xf32> to vector<16xf32>
      %swap3A_256 = vector.shape_cast %get3A_249 : vector<16xf32> to vector<1x16xf32>
      tpu.vector_store %arg8[%swap3A_252, %swap3A_253], %swap3A_256 {strides = array<i32>} : memref<196x256xf32, #tpu.memory_space<vmem>>, vector<1x16xf32>,
      %mul3A_257 = arith.constant 4 : i32
      %mul3A_258 = arith.muli %mul3A_257, %scan3A_92 : i32
      %add3A_259 = arith.constant 2 : i32
      %add3A_260 = arith.addi %mul3A_258, %add3A_259 : i32
      %get3A_261 = arith.index_cast %add3A_260 : i32 to index
      %get3A_262 = arith.constant 48 : index
      %get3A_263 = tpu.vector_load %arg6[%get3A_261, %get3A_262] {strides = array<i32>} : memref<200x128xf32, #tpu.memory_space<vmem>>, vector<1x16xf32>,
      %get3A_264 = vector.shape_cast %get3A_263 : vector<1x16xf32> to vector<16xf32>
      %add3A_265 = arith.constant 100 : i32
      %add3A_266 = arith.addi %add3A_265, %scan3A_92 : i32
      %swap3A_267 = arith.index_cast %add3A_266 : i32 to index
      %swap3A_268 = arith.constant 176 : index
      %swap3A_269 = tpu.vector_load %arg8[%swap3A_267, %swap3A_268] {strides = array<i32>} : memref<196x256xf32, #tpu.memory_space<vmem>>, vector<1x16xf32>,
      %swap3A_270 = vector.shape_cast %swap3A_269 : vector<1x16xf32> to vector<16xf32>
      %swap3A_271 = vector.shape_cast %get3A_264 : vector<16xf32> to vector<1x16xf32>
      tpu.vector_store %arg8[%swap3A_267, %swap3A_268], %swap3A_271 {strides = array<i32>} : memref<196x256xf32, #tpu.memory_space<vmem>>, vector<1x16xf32>,
      %mul3A_272 = arith.constant 4 : i32
      %mul3A_273 = arith.muli %mul3A_272, %scan3A_92 : i32
      %add3A_274 = arith.constant 3 : i32
      %add3A_275 = arith.addi %mul3A_273, %add3A_274 : i32
      %get3A_276 = arith.index_cast %add3A_275 : i32 to index
      %get3A_277 = arith.constant 0 : index
      %get3A_278 = tpu.vector_load %arg6[%get3A_276, %get3A_277] {strides = array<i32>} : memref<200x128xf32, #tpu.memory_space<vmem>>, vector<1x16xf32>,
      %get3A_279 = vector.shape_cast %get3A_278 : vector<1x16xf32> to vector<16xf32>
      %add3A_280 = arith.constant 100 : i32
      %add3A_281 = arith.addi %add3A_280, %scan3A_92 : i32
      %swap3A_282 = arith.index_cast %add3A_281 : i32 to index
      %swap3A_283 = arith.constant 192 : index
      %swap3A_284 = tpu.vector_load %arg8[%swap3A_282, %swap3A_283] {strides = array<i32>} : memref<196x256xf32, #tpu.memory_space<vmem>>, vector<1x16xf32>,
      %swap3A_285 = vector.shape_cast %swap3A_284 : vector<1x16xf32> to vector<16xf32>
      %swap3A_286 = vector.shape_cast %get3A_279 : vector<16xf32> to vector<1x16xf32>
      tpu.vector_store %arg8[%swap3A_282, %swap3A_283], %swap3A_286 {strides = array<i32>} : memref<196x256xf32, #tpu.memory_space<vmem>>, vector<1x16xf32>,
      %mul3A_287 = arith.constant 4 : i32
      %mul3A_288 = arith.muli %mul3A_287, %scan3A_92 : i32
      %add3A_289 = arith.constant 3 : i32
      %add3A_290 = arith.addi %mul3A_288, %add3A_289 : i32
      %get3A_291 = arith.index_cast %add3A_290 : i32 to index
      %get3A_292 = arith.constant 16 : index
      %get3A_293 = tpu.vector_load %arg6[%get3A_291, %get3A_292] {strides = array<i32>} : memref<200x128xf32, #tpu.memory_space<vmem>>, vector<1x16xf32>,
      %get3A_294 = vector.shape_cast %get3A_293 : vector<1x16xf32> to vector<16xf32>
      %add3A_295 = arith.constant 100 : i32
      %add3A_296 = arith.addi %add3A_295, %scan3A_92 : i32
      %swap3A_297 = arith.index_cast %add3A_296 : i32 to index
      %swap3A_298 = arith.constant 208 : index
      %swap3A_299 = tpu.vector_load %arg8[%swap3A_297, %swap3A_298] {strides = array<i32>} : memref<196x256xf32, #tpu.memory_space<vmem>>, vector<1x16xf32>,
      %swap3A_300 = vector.shape_cast %swap3A_299 : vector<1x16xf32> to vector<16xf32>
      %swap3A_301 = vector.shape_cast %get3A_294 : vector<16xf32> to vector<1x16xf32>
      tpu.vector_store %arg8[%swap3A_297, %swap3A_298], %swap3A_301 {strides = array<i32>} : memref<196x256xf32, #tpu.memory_space<vmem>>, vector<1x16xf32>,
      %mul3A_302 = arith.constant 4 : i32
      %mul3A_303 = arith.muli %mul3A_302, %scan3A_92 : i32
      %add3A_304 = arith.constant 3 : i32
      %add3A_305 = arith.addi %mul3A_303, %add3A_304 : i32
      %get3A_306 = arith.index_cast %add3A_305 : i32 to index
      %get3A_307 = arith.constant 32 : index
      %get3A_308 = tpu.vector_load %arg6[%get3A_306, %get3A_307] {strides = array<i32>} : memref<200x128xf32, #tpu.memory_space<vmem>>, vector<1x16xf32>,
      %get3A_309 = vector.shape_cast %get3A_308 : vector<1x16xf32> to vector<16xf32>
      %add3A_310 = arith.constant 100 : i32
      %add3A_311 = arith.addi %add3A_310, %scan3A_92 : i32
      %swap3A_312 = arith.index_cast %add3A_311 : i32 to index
      %swap3A_313 = arith.constant 224 : index
      %swap3A_314 = tpu.vector_load %arg8[%swap3A_312, %swap3A_313] {strides = array<i32>} : memref<196x256xf32, #tpu.memory_space<vmem>>, vector<1x16xf32>,
      %swap3A_315 = vector.shape_cast %swap3A_314 : vector<1x16xf32> to vector<16xf32>
      %swap3A_316 = vector.shape_cast %get3A_309 : vector<16xf32> to vector<1x16xf32>
      tpu.vector_store %arg8[%swap3A_312, %swap3A_313], %swap3A_316 {strides = array<i32>} : memref<196x256xf32, #tpu.memory_space<vmem>>, vector<1x16xf32>,
      %mul3A_317 = arith.constant 4 : i32
      %mul3A_318 = arith.muli %mul3A_317, %scan3A_92 : i32
      %add3A_319 = arith.constant 3 : i32
      %add3A_320 = arith.addi %mul3A_318, %add3A_319 : i32
      %get3A_321 = arith.index_cast %add3A_320 : i32 to index
      %get3A_322 = arith.constant 48 : index
      %get3A_323 = tpu.vector_load %arg6[%get3A_321, %get3A_322] {strides = array<i32>} : memref<200x128xf32, #tpu.memory_space<vmem>>, vector<1x16xf32>,
      %get3A_324 = vector.shape_cast %get3A_323 : vector<1x16xf32> to vector<16xf32>
      %add3A_325 = arith.constant 100 : i32
      %add3A_326 = arith.addi %add3A_325, %scan3A_92 : i32
      %swap3A_327 = arith.index_cast %add3A_326 : i32 to index
      %swap3A_328 = arith.constant 240 : index
      %swap3A_329 = tpu.vector_load %arg8[%swap3A_327, %swap3A_328] {strides = array<i32>} : memref<196x256xf32, #tpu.memory_space<vmem>>, vector<1x16xf32>,
      %swap3A_330 = vector.shape_cast %swap3A_329 : vector<1x16xf32> to vector<16xf32>
      %swap3A_331 = vector.shape_cast %get3A_324 : vector<16xf32> to vector<1x16xf32>
      tpu.vector_store %arg8[%swap3A_327, %swap3A_328], %swap3A_331 {strides = array<i32>} : memref<196x256xf32, #tpu.memory_space<vmem>>, vector<1x16xf32>,
      %scan3A_332 = arith.constant 0 : i32
      scf.yield %scan3A_332 : i32
    }
    %scan3A_76 = arith.constant 50 : i32
    %dma_wait3A_77 = arith.constant 0 : i32
    %dma_wait3A_78 = arith.constant 0 : i32
    %dma_wait3A_79 = tpu.memref_slice %arg7[%dma_wait3A_77, %dma_wait3A_78] : memref<200x128xf32, #tpu.memory_space<vmem>> -> memref<184x128xf32, #tpu.memory_space<vmem>>
    %dma_wait3A_80 = arith.constant 600 : i32
    %dma_wait3A_81 = tpu.memref_slice %arg5[%dma_wait3A_80] : memref<784xi32, #tpu.memory_space<vmem>> -> memref<184xi32, #tpu.memory_space<vmem>>
    %dma_wait3A_82 = arith.constant 0 : i32
    %dma_wait3A_83 = arith.constant 0 : i32
    %dma_wait3A_84 = tpu.memref_slice %arg2[%dma_wait3A_82, %dma_wait3A_83] : memref<2048x128xf32, #tpu.memory_space<hbm>> -> memref<2048x128xf32, #tpu.memory_space<hbm>>
    tpu.wait_indirect_dma semaphore(%arg10 : memref<!tpu.dma_semaphore, #tpu.memory_space<semaphore_mem>>) src(%dma_wait3A_84 : memref<2048x128xf32, #tpu.memory_space<hbm>>) dst(%dma_wait3A_79 : memref<184x128xf32, #tpu.memory_space<vmem>>)
    %scan3A_85 = arith.constant 0 : i32
    %scan3A_86 = arith.constant 0 : i32
    %scan3A_87 = arith.constant 46 : i32
    %scan3A_88 = arith.addi %scan3A_86, %scan3A_87 : i32
    %scan3A_89 = arith.constant 1 : i32
    %scan3A_90 = scf.for %scan3A_92 = %scan3A_86 to %scan3A_88 step %scan3A_89 iter_args(%scan3A_93 = %scan3A_85) -> (i32)  : i32 {
      %mul3A_94 = arith.constant 4 : i32
      %mul3A_95 = arith.muli %mul3A_94, %scan3A_92 : i32
      %add3A_96 = arith.constant 0 : i32
      %add3A_97 = arith.addi %mul3A_95, %add3A_96 : i32
      %get3A = arith.index_cast %add3A_97 : i32 to index
      %get3A_98 = arith.constant 0 : index
      %get3A_99 = tpu.vector_load %arg7[%get3A, %get3A_98] {strides = array<i32>} : memref<200x128xf32, #tpu.memory_space<vmem>>, vector<1x16xf32>,
      %get3A_100 = vector.shape_cast %get3A_99 : vector<1x16xf32> to vector<16xf32>
      %add3A_101 = arith.constant 150 : i32
      %add3A_102 = arith.addi %add3A_101, %scan3A_92 : i32
      %swap3A = arith.index_cast %add3A_102 : i32 to index
      %swap3A_103 = arith.constant 0 : index
      %swap3A_104 = tpu.vector_load %arg8[%swap3A, %swap3A_103] {strides = array<i32>} : memref<196x256xf32, #tpu.memory_space<vmem>>, vector<1x16xf32>,
      %swap3A_105 = vector.shape_cast %swap3A_104 : vector<1x16xf32> to vector<16xf32>
      %swap3A_106 = vector.shape_cast %get3A_100 : vector<16xf32> to vector<1x16xf32>
      tpu.vector_store %arg8[%swap3A, %swap3A_103], %swap3A_106 {strides = array<i32>} : memref<196x256xf32, #tpu.memory_space<vmem>>, vector<1x16xf32>,
      %mul3A_107 = arith.constant 4 : i32
      %mul3A_108 = arith.muli %mul3A_107, %scan3A_92 : i32
      %add3A_109 = arith.constant 0 : i32
      %add3A_110 = arith.addi %mul3A_108, %add3A_109 : i32
      %get3A_111 = arith.index_cast %add3A_110 : i32 to index
      %get3A_112 = arith.constant 16 : index
      %get3A_113 = tpu.vector_load %arg7[%get3A_111, %get3A_112] {strides = array<i32>} : memref<200x128xf32, #tpu.memory_space<vmem>>, vector<1x16xf32>,
      %get3A_114 = vector.shape_cast %get3A_113 : vector<1x16xf32> to vector<16xf32>
      %add3A_115 = arith.constant 150 : i32
      %add3A_116 = arith.addi %add3A_115, %scan3A_92 : i32
      %swap3A_117 = arith.index_cast %add3A_116 : i32 to index
      %swap3A_118 = arith.constant 16 : index
      %swap3A_119 = tpu.vector_load %arg8[%swap3A_117, %swap3A_118] {strides = array<i32>} : memref<196x256xf32, #tpu.memory_space<vmem>>, vector<1x16xf32>,
      %swap3A_120 = vector.shape_cast %swap3A_119 : vector<1x16xf32> to vector<16xf32>
      %swap3A_121 = vector.shape_cast %get3A_114 : vector<16xf32> to vector<1x16xf32>
      tpu.vector_store %arg8[%swap3A_117, %swap3A_118], %swap3A_121 {strides = array<i32>} : memref<196x256xf32, #tpu.memory_space<vmem>>, vector<1x16xf32>,
      %mul3A_122 = arith.constant 4 : i32
      %mul3A_123 = arith.muli %mul3A_122, %scan3A_92 : i32
      %add3A_124 = arith.constant 0 : i32
      %add3A_125 = arith.addi %mul3A_123, %add3A_124 : i32
      %get3A_126 = arith.index_cast %add3A_125 : i32 to index
      %get3A_127 = arith.constant 32 : index
      %get3A_128 = tpu.vector_load %arg7[%get3A_126, %get3A_127] {strides = array<i32>} : memref<200x128xf32, #tpu.memory_space<vmem>>, vector<1x16xf32>,
      %get3A_129 = vector.shape_cast %get3A_128 : vector<1x16xf32> to vector<16xf32>
      %add3A_130 = arith.constant 150 : i32
      %add3A_131 = arith.addi %add3A_130, %scan3A_92 : i32
      %swap3A_132 = arith.index_cast %add3A_131 : i32 to index
      %swap3A_133 = arith.constant 32 : index
      %swap3A_134 = tpu.vector_load %arg8[%swap3A_132, %swap3A_133] {strides = array<i32>} : memref<196x256xf32, #tpu.memory_space<vmem>>, vector<1x16xf32>,
      %swap3A_135 = vector.shape_cast %swap3A_134 : vector<1x16xf32> to vector<16xf32>
      %swap3A_136 = vector.shape_cast %get3A_129 : vector<16xf32> to vector<1x16xf32>
      tpu.vector_store %arg8[%swap3A_132, %swap3A_133], %swap3A_136 {strides = array<i32>} : memref<196x256xf32, #tpu.memory_space<vmem>>, vector<1x16xf32>,
      %mul3A_137 = arith.constant 4 : i32
      %mul3A_138 = arith.muli %mul3A_137, %scan3A_92 : i32
      %add3A_139 = arith.constant 0 : i32
      %add3A_140 = arith.addi %mul3A_138, %add3A_139 : i32
      %get3A_141 = arith.index_cast %add3A_140 : i32 to index
      %get3A_142 = arith.constant 48 : index
      %get3A_143 = tpu.vector_load %arg7[%get3A_141, %get3A_142] {strides = array<i32>} : memref<200x128xf32, #tpu.memory_space<vmem>>, vector<1x16xf32>,
      %get3A_144 = vector.shape_cast %get3A_143 : vector<1x16xf32> to vector<16xf32>
      %add3A_145 = arith.constant 150 : i32
      %add3A_146 = arith.addi %add3A_145, %scan3A_92 : i32
      %swap3A_147 = arith.index_cast %add3A_146 : i32 to index
      %swap3A_148 = arith.constant 48 : index
      %swap3A_149 = tpu.vector_load %arg8[%swap3A_147, %swap3A_148] {strides = array<i32>} : memref<196x256xf32, #tpu.memory_space<vmem>>, vector<1x16xf32>,
      %swap3A_150 = vector.shape_cast %swap3A_149 : vector<1x16xf32> to vector<16xf32>
      %swap3A_151 = vector.shape_cast %get3A_144 : vector<16xf32> to vector<1x16xf32>
      tpu.vector_store %arg8[%swap3A_147, %swap3A_148], %swap3A_151 {strides = array<i32>} : memref<196x256xf32, #tpu.memory_space<vmem>>, vector<1x16xf32>,
      %mul3A_152 = arith.constant 4 : i32
      %mul3A_153 = arith.muli %mul3A_152, %scan3A_92 : i32
      %add3A_154 = arith.constant 1 : i32
      %add3A_155 = arith.addi %mul3A_153, %add3A_154 : i32
      %get3A_156 = arith.index_cast %add3A_155 : i32 to index
      %get3A_157 = arith.constant 0 : index
      %get3A_158 = tpu.vector_load %arg7[%get3A_156, %get3A_157] {strides = array<i32>} : memref<200x128xf32, #tpu.memory_space<vmem>>, vector<1x16xf32>,
      %get3A_159 = vector.shape_cast %get3A_158 : vector<1x16xf32> to vector<16xf32>
      %add3A_160 = arith.constant 150 : i32
      %add3A_161 = arith.addi %add3A_160, %scan3A_92 : i32
      %swap3A_162 = arith.index_cast %add3A_161 : i32 to index
      %swap3A_163 = arith.constant 64 : index
      %swap3A_164 = tpu.vector_load %arg8[%swap3A_162, %swap3A_163] {strides = array<i32>} : memref<196x256xf32, #tpu.memory_space<vmem>>, vector<1x16xf32>,
      %swap3A_165 = vector.shape_cast %swap3A_164 : vector<1x16xf32> to vector<16xf32>
      %swap3A_166 = vector.shape_cast %get3A_159 : vector<16xf32> to vector<1x16xf32>
      tpu.vector_store %arg8[%swap3A_162, %swap3A_163], %swap3A_166 {strides = array<i32>} : memref<196x256xf32, #tpu.memory_space<vmem>>, vector<1x16xf32>,
      %mul3A_167 = arith.constant 4 : i32
      %mul3A_168 = arith.muli %mul3A_167, %scan3A_92 : i32
      %add3A_169 = arith.constant 1 : i32
      %add3A_170 = arith.addi %mul3A_168, %add3A_169 : i32
      %get3A_171 = arith.index_cast %add3A_170 : i32 to index
      %get3A_172 = arith.constant 16 : index
      %get3A_173 = tpu.vector_load %arg7[%get3A_171, %get3A_172] {strides = array<i32>} : memref<200x128xf32, #tpu.memory_space<vmem>>, vector<1x16xf32>,
      %get3A_174 = vector.shape_cast %get3A_173 : vector<1x16xf32> to vector<16xf32>
      %add3A_175 = arith.constant 150 : i32
      %add3A_176 = arith.addi %add3A_175, %scan3A_92 : i32
      %swap3A_177 = arith.index_cast %add3A_176 : i32 to index
      %swap3A_178 = arith.constant 80 : index
      %swap3A_179 = tpu.vector_load %arg8[%swap3A_177, %swap3A_178] {strides = array<i32>} : memref<196x256xf32, #tpu.memory_space<vmem>>, vector<1x16xf32>,
      %swap3A_180 = vector.shape_cast %swap3A_179 : vector<1x16xf32> to vector<16xf32>
      %swap3A_181 = vector.shape_cast %get3A_174 : vector<16xf32> to vector<1x16xf32>
      tpu.vector_store %arg8[%swap3A_177, %swap3A_178], %swap3A_181 {strides = array<i32>} : memref<196x256xf32, #tpu.memory_space<vmem>>, vector<1x16xf32>,
      %mul3A_182 = arith.constant 4 : i32
      %mul3A_183 = arith.muli %mul3A_182, %scan3A_92 : i32
      %add3A_184 = arith.constant 1 : i32
      %add3A_185 = arith.addi %mul3A_183, %add3A_184 : i32
      %get3A_186 = arith.index_cast %add3A_185 : i32 to index
      %get3A_187 = arith.constant 32 : index
      %get3A_188 = tpu.vector_load %arg7[%get3A_186, %get3A_187] {strides = array<i32>} : memref<200x128xf32, #tpu.memory_space<vmem>>, vector<1x16xf32>,
      %get3A_189 = vector.shape_cast %get3A_188 : vector<1x16xf32> to vector<16xf32>
      %add3A_190 = arith.constant 150 : i32
      %add3A_191 = arith.addi %add3A_190, %scan3A_92 : i32
      %swap3A_192 = arith.index_cast %add3A_191 : i32 to index
      %swap3A_193 = arith.constant 96 : index
      %swap3A_194 = tpu.vector_load %arg8[%swap3A_192, %swap3A_193] {strides = array<i32>} : memref<196x256xf32, #tpu.memory_space<vmem>>, vector<1x16xf32>,
      %swap3A_195 = vector.shape_cast %swap3A_194 : vector<1x16xf32> to vector<16xf32>
      %swap3A_196 = vector.shape_cast %get3A_189 : vector<16xf32> to vector<1x16xf32>
      tpu.vector_store %arg8[%swap3A_192, %swap3A_193], %swap3A_196 {strides = array<i32>} : memref<196x256xf32, #tpu.memory_space<vmem>>, vector<1x16xf32>,
      %mul3A_197 = arith.constant 4 : i32
      %mul3A_198 = arith.muli %mul3A_197, %scan3A_92 : i32
      %add3A_199 = arith.constant 1 : i32
      %add3A_200 = arith.addi %mul3A_198, %add3A_199 : i32
      %get3A_201 = arith.index_cast %add3A_200 : i32 to index
      %get3A_202 = arith.constant 48 : index
      %get3A_203 = tpu.vector_load %arg7[%get3A_201, %get3A_202] {strides = array<i32>} : memref<200x128xf32, #tpu.memory_space<vmem>>, vector<1x16xf32>,
      %get3A_204 = vector.shape_cast %get3A_203 : vector<1x16xf32> to vector<16xf32>
      %add3A_205 = arith.constant 150 : i32
      %add3A_206 = arith.addi %add3A_205, %scan3A_92 : i32
      %swap3A_207 = arith.index_cast %add3A_206 : i32 to index
      %swap3A_208 = arith.constant 112 : index
      %swap3A_209 = tpu.vector_load %arg8[%swap3A_207, %swap3A_208] {strides = array<i32>} : memref<196x256xf32, #tpu.memory_space<vmem>>, vector<1x16xf32>,
      %swap3A_210 = vector.shape_cast %swap3A_209 : vector<1x16xf32> to vector<16xf32>
      %swap3A_211 = vector.shape_cast %get3A_204 : vector<16xf32> to vector<1x16xf32>
      tpu.vector_store %arg8[%swap3A_207, %swap3A_208], %swap3A_211 {strides = array<i32>} : memref<196x256xf32, #tpu.memory_space<vmem>>, vector<1x16xf32>,
      %mul3A_212 = arith.constant 4 : i32
      %mul3A_213 = arith.muli %mul3A_212, %scan3A_92 : i32
      %add3A_214 = arith.constant 2 : i32
      %add3A_215 = arith.addi %mul3A_213, %add3A_214 : i32
      %get3A_216 = arith.index_cast %add3A_215 : i32 to index
      %get3A_217 = arith.constant 0 : index
      %get3A_218 = tpu.vector_load %arg7[%get3A_216, %get3A_217] {strides = array<i32>} : memref<200x128xf32, #tpu.memory_space<vmem>>, vector<1x16xf32>,
      %get3A_219 = vector.shape_cast %get3A_218 : vector<1x16xf32> to vector<16xf32>
      %add3A_220 = arith.constant 150 : i32
      %add3A_221 = arith.addi %add3A_220, %scan3A_92 : i32
      %swap3A_222 = arith.index_cast %add3A_221 : i32 to index
      %swap3A_223 = arith.constant 128 : index
      %swap3A_224 = tpu.vector_load %arg8[%swap3A_222, %swap3A_223] {strides = array<i32>} : memref<196x256xf32, #tpu.memory_space<vmem>>, vector<1x16xf32>,
      %swap3A_225 = vector.shape_cast %swap3A_224 : vector<1x16xf32> to vector<16xf32>
      %swap3A_226 = vector.shape_cast %get3A_219 : vector<16xf32> to vector<1x16xf32>
      tpu.vector_store %arg8[%swap3A_222, %swap3A_223], %swap3A_226 {strides = array<i32>} : memref<196x256xf32, #tpu.memory_space<vmem>>, vector<1x16xf32>,
      %mul3A_227 = arith.constant 4 : i32
      %mul3A_228 = arith.muli %mul3A_227, %scan3A_92 : i32
      %add3A_229 = arith.constant 2 : i32
      %add3A_230 = arith.addi %mul3A_228, %add3A_229 : i32
      %get3A_231 = arith.index_cast %add3A_230 : i32 to index
      %get3A_232 = arith.constant 16 : index
      %get3A_233 = tpu.vector_load %arg7[%get3A_231, %get3A_232] {strides = array<i32>} : memref<200x128xf32, #tpu.memory_space<vmem>>, vector<1x16xf32>,
      %get3A_234 = vector.shape_cast %get3A_233 : vector<1x16xf32> to vector<16xf32>
      %add3A_235 = arith.constant 150 : i32
      %add3A_236 = arith.addi %add3A_235, %scan3A_92 : i32
      %swap3A_237 = arith.index_cast %add3A_236 : i32 to index
      %swap3A_238 = arith.constant 144 : index
      %swap3A_239 = tpu.vector_load %arg8[%swap3A_237, %swap3A_238] {strides = array<i32>} : memref<196x256xf32, #tpu.memory_space<vmem>>, vector<1x16xf32>,
      %swap3A_240 = vector.shape_cast %swap3A_239 : vector<1x16xf32> to vector<16xf32>
      %swap3A_241 = vector.shape_cast %get3A_234 : vector<16xf32> to vector<1x16xf32>
      tpu.vector_store %arg8[%swap3A_237, %swap3A_238], %swap3A_241 {strides = array<i32>} : memref<196x256xf32, #tpu.memory_space<vmem>>, vector<1x16xf32>,
      %mul3A_242 = arith.constant 4 : i32
      %mul3A_243 = arith.muli %mul3A_242, %scan3A_92 : i32
      %add3A_244 = arith.constant 2 : i32
      %add3A_245 = arith.addi %mul3A_243, %add3A_244 : i32
      %get3A_246 = arith.index_cast %add3A_245 : i32 to index
      %get3A_247 = arith.constant 32 : index
      %get3A_248 = tpu.vector_load %arg7[%get3A_246, %get3A_247] {strides = array<i32>} : memref<200x128xf32, #tpu.memory_space<vmem>>, vector<1x16xf32>,
      %get3A_249 = vector.shape_cast %get3A_248 : vector<1x16xf32> to vector<16xf32>
      %add3A_250 = arith.constant 150 : i32
      %add3A_251 = arith.addi %add3A_250, %scan3A_92 : i32
      %swap3A_252 = arith.index_cast %add3A_251 : i32 to index
      %swap3A_253 = arith.constant 160 : index
      %swap3A_254 = tpu.vector_load %arg8[%swap3A_252, %swap3A_253] {strides = array<i32>} : memref<196x256xf32, #tpu.memory_space<vmem>>, vector<1x16xf32>,
      %swap3A_255 = vector.shape_cast %swap3A_254 : vector<1x16xf32> to vector<16xf32>
      %swap3A_256 = vector.shape_cast %get3A_249 : vector<16xf32> to vector<1x16xf32>
      tpu.vector_store %arg8[%swap3A_252, %swap3A_253], %swap3A_256 {strides = array<i32>} : memref<196x256xf32, #tpu.memory_space<vmem>>, vector<1x16xf32>,
      %mul3A_257 = arith.constant 4 : i32
      %mul3A_258 = arith.muli %mul3A_257, %scan3A_92 : i32
      %add3A_259 = arith.constant 2 : i32
      %add3A_260 = arith.addi %mul3A_258, %add3A_259 : i32
      %get3A_261 = arith.index_cast %add3A_260 : i32 to index
      %get3A_262 = arith.constant 48 : index
      %get3A_263 = tpu.vector_load %arg7[%get3A_261, %get3A_262] {strides = array<i32>} : memref<200x128xf32, #tpu.memory_space<vmem>>, vector<1x16xf32>,
      %get3A_264 = vector.shape_cast %get3A_263 : vector<1x16xf32> to vector<16xf32>
      %add3A_265 = arith.constant 150 : i32
      %add3A_266 = arith.addi %add3A_265, %scan3A_92 : i32
      %swap3A_267 = arith.index_cast %add3A_266 : i32 to index
      %swap3A_268 = arith.constant 176 : index
      %swap3A_269 = tpu.vector_load %arg8[%swap3A_267, %swap3A_268] {strides = array<i32>} : memref<196x256xf32, #tpu.memory_space<vmem>>, vector<1x16xf32>,
      %swap3A_270 = vector.shape_cast %swap3A_269 : vector<1x16xf32> to vector<16xf32>
      %swap3A_271 = vector.shape_cast %get3A_264 : vector<16xf32> to vector<1x16xf32>
      tpu.vector_store %arg8[%swap3A_267, %swap3A_268], %swap3A_271 {strides = array<i32>} : memref<196x256xf32, #tpu.memory_space<vmem>>, vector<1x16xf32>,
      %mul3A_272 = arith.constant 4 : i32
      %mul3A_273 = arith.muli %mul3A_272, %scan3A_92 : i32
      %add3A_274 = arith.constant 3 : i32
      %add3A_275 = arith.addi %mul3A_273, %add3A_274 : i32
      %get3A_276 = arith.index_cast %add3A_275 : i32 to index
      %get3A_277 = arith.constant 0 : index
      %get3A_278 = tpu.vector_load %arg7[%get3A_276, %get3A_277] {strides = array<i32>} : memref<200x128xf32, #tpu.memory_space<vmem>>, vector<1x16xf32>,
      %get3A_279 = vector.shape_cast %get3A_278 : vector<1x16xf32> to vector<16xf32>
      %add3A_280 = arith.constant 150 : i32
      %add3A_281 = arith.addi %add3A_280, %scan3A_92 : i32
      %swap3A_282 = arith.index_cast %add3A_281 : i32 to index
      %swap3A_283 = arith.constant 192 : index
      %swap3A_284 = tpu.vector_load %arg8[%swap3A_282, %swap3A_283] {strides = array<i32>} : memref<196x256xf32, #tpu.memory_space<vmem>>, vector<1x16xf32>,
      %swap3A_285 = vector.shape_cast %swap3A_284 : vector<1x16xf32> to vector<16xf32>
      %swap3A_286 = vector.shape_cast %get3A_279 : vector<16xf32> to vector<1x16xf32>
      tpu.vector_store %arg8[%swap3A_282, %swap3A_283], %swap3A_286 {strides = array<i32>} : memref<196x256xf32, #tpu.memory_space<vmem>>, vector<1x16xf32>,
      %mul3A_287 = arith.constant 4 : i32
      %mul3A_288 = arith.muli %mul3A_287, %scan3A_92 : i32
      %add3A_289 = arith.constant 3 : i32
      %add3A_290 = arith.addi %mul3A_288, %add3A_289 : i32
      %get3A_291 = arith.index_cast %add3A_290 : i32 to index
      %get3A_292 = arith.constant 16 : index
      %get3A_293 = tpu.vector_load %arg7[%get3A_291, %get3A_292] {strides = array<i32>} : memref<200x128xf32, #tpu.memory_space<vmem>>, vector<1x16xf32>,
      %get3A_294 = vector.shape_cast %get3A_293 : vector<1x16xf32> to vector<16xf32>
      %add3A_295 = arith.constant 150 : i32
      %add3A_296 = arith.addi %add3A_295, %scan3A_92 : i32
      %swap3A_297 = arith.index_cast %add3A_296 : i32 to index
      %swap3A_298 = arith.constant 208 : index
      %swap3A_299 = tpu.vector_load %arg8[%swap3A_297, %swap3A_298] {strides = array<i32>} : memref<196x256xf32, #tpu.memory_space<vmem>>, vector<1x16xf32>,
      %swap3A_300 = vector.shape_cast %swap3A_299 : vector<1x16xf32> to vector<16xf32>
      %swap3A_301 = vector.shape_cast %get3A_294 : vector<16xf32> to vector<1x16xf32>
      tpu.vector_store %arg8[%swap3A_297, %swap3A_298], %swap3A_301 {strides = array<i32>} : memref<196x256xf32, #tpu.memory_space<vmem>>, vector<1x16xf32>,
      %mul3A_302 = arith.constant 4 : i32
      %mul3A_303 = arith.muli %mul3A_302, %scan3A_92 : i32
      %add3A_304 = arith.constant 3 : i32
      %add3A_305 = arith.addi %mul3A_303, %add3A_304 : i32
      %get3A_306 = arith.index_cast %add3A_305 : i32 to index
      %get3A_307 = arith.constant 32 : index
      %get3A_308 = tpu.vector_load %arg7[%get3A_306, %get3A_307] {strides = array<i32>} : memref<200x128xf32, #tpu.memory_space<vmem>>, vector<1x16xf32>,
      %get3A_309 = vector.shape_cast %get3A_308 : vector<1x16xf32> to vector<16xf32>
      %add3A_310 = arith.constant 150 : i32
      %add3A_311 = arith.addi %add3A_310, %scan3A_92 : i32
      %swap3A_312 = arith.index_cast %add3A_311 : i32 to index
      %swap3A_313 = arith.constant 224 : index
      %swap3A_314 = tpu.vector_load %arg8[%swap3A_312, %swap3A_313] {strides = array<i32>} : memref<196x256xf32, #tpu.memory_space<vmem>>, vector<1x16xf32>,
      %swap3A_315 = vector.shape_cast %swap3A_314 : vector<1x16xf32> to vector<16xf32>
      %swap3A_316 = vector.shape_cast %get3A_309 : vector<16xf32> to vector<1x16xf32>
      tpu.vector_store %arg8[%swap3A_312, %swap3A_313], %swap3A_316 {strides = array<i32>} : memref<196x256xf32, #tpu.memory_space<vmem>>, vector<1x16xf32>,
      %mul3A_317 = arith.constant 4 : i32
      %mul3A_318 = arith.muli %mul3A_317, %scan3A_92 : i32
      %add3A_319 = arith.constant 3 : i32
      %add3A_320 = arith.addi %mul3A_318, %add3A_319 : i32
      %get3A_321 = arith.index_cast %add3A_320 : i32 to index
      %get3A_322 = arith.constant 48 : index
      %get3A_323 = tpu.vector_load %arg7[%get3A_321, %get3A_322] {strides = array<i32>} : memref<200x128xf32, #tpu.memory_space<vmem>>, vector<1x16xf32>,
      %get3A_324 = vector.shape_cast %get3A_323 : vector<1x16xf32> to vector<16xf32>
      %add3A_325 = arith.constant 150 : i32
      %add3A_326 = arith.addi %add3A_325, %scan3A_92 : i32
      %swap3A_327 = arith.index_cast %add3A_326 : i32 to index
      %swap3A_328 = arith.constant 240 : index
      %swap3A_329 = tpu.vector_load %arg8[%swap3A_327, %swap3A_328] {strides = array<i32>} : memref<196x256xf32, #tpu.memory_space<vmem>>, vector<1x16xf32>,
      %swap3A_330 = vector.shape_cast %swap3A_329 : vector<1x16xf32> to vector<16xf32>
      %swap3A_331 = vector.shape_cast %get3A_324 : vector<16xf32> to vector<1x16xf32>
      tpu.vector_store %arg8[%swap3A_327, %swap3A_328], %swap3A_331 {strides = array<i32>} : memref<196x256xf32, #tpu.memory_space<vmem>>, vector<1x16xf32>,
      %scan3A_332 = arith.constant 0 : i32
      scf.yield %scan3A_332 : i32
    }
    %scan3A_91 = arith.constant 46 : i32
    "tpu.region"() ({
      %run_scoped3A = tpu.sem_alloc : memref<!tpu.dma_semaphore, #tpu.memory_space<semaphore_mem>>
      %dma_start3A_92 = arith.constant 0 : i32
      %dma_start3A_93 = arith.constant 0 : i32
      %dma_start3A_94 = tpu.memref_slice %arg4[%add3A, %dma_start3A_92, %dma_start3A_93] : memref<32x196x256xf32, #tpu.memory_space<hbm>> -> memref<1x196x256xf32, #tpu.memory_space<hbm>>
      %dma_start3A_95 = tpu.memref_squeeze %dma_start3A_94 : memref<1x196x256xf32, #tpu.memory_space<hbm>> -> memref<196x256xf32, #tpu.memory_space<hbm>>
      %dma_start3A_96 = arith.constant 0 : i32
      %dma_start3A_97 = arith.constant 0 : i32
      %dma_start3A_98 = tpu.memref_slice %arg4[%add3A, %dma_start3A_96, %dma_start3A_97] : memref<32x196x256xf32, #tpu.memory_space<hbm>> -> memref<1x196x256xf32, #tpu.memory_space<hbm>>
      %dma_start3A_99 = tpu.memref_squeeze %dma_start3A_98 : memref<1x196x256xf32, #tpu.memory_space<hbm>> -> memref<196x256xf32, #tpu.memory_space<hbm>>
      tpu.enqueue_dma source(%arg8 : memref<196x256xf32, #tpu.memory_space<vmem>>) target(%dma_start3A_99 : memref<196x256xf32, #tpu.memory_space<hbm>>) target_semaphore(%run_scoped3A : memref<!tpu.dma_semaphore, #tpu.memory_space<semaphore_mem>>)
      %dma_wait3A_100 = arith.constant 0 : i32
      %dma_wait3A_101 = arith.constant 0 : i32
      %dma_wait3A_102 = tpu.memref_slice %arg4[%add3A, %dma_wait3A_100, %dma_wait3A_101] : memref<32x196x256xf32, #tpu.memory_space<hbm>> -> memref<1x196x256xf32, #tpu.memory_space<hbm>>
      %dma_wait3A_103 = tpu.memref_squeeze %dma_wait3A_102 : memref<1x196x256xf32, #tpu.memory_space<hbm>> -> memref<196x256xf32, #tpu.memory_space<hbm>>
      %dma_wait3A_104 = arith.constant 0 : i32
      %dma_wait3A_105 = arith.constant 0 : i32
      %dma_wait3A_106 = tpu.memref_slice %arg4[%add3A, %dma_wait3A_104, %dma_wait3A_105] : memref<32x196x256xf32, #tpu.memory_space<hbm>> -> memref<1x196x256xf32, #tpu.memory_space<hbm>>
      %dma_wait3A_107 = tpu.memref_squeeze %dma_wait3A_106 : memref<1x196x256xf32, #tpu.memory_space<hbm>> -> memref<196x256xf32, #tpu.memory_space<hbm>>
      tpu.wait_dma2 semaphore(%run_scoped3A : memref<!tpu.dma_semaphore, #tpu.memory_space<semaphore_mem>>) src(%arg8 : memref<196x256xf32, #tpu.memory_space<vmem>>) dst(%dma_wait3A_107 : memref<196x256xf32, #tpu.memory_space<hbm>>)
      tpu.yield
    }) : () -> ()
    return
  }
}

module attributes {stable_mosaic.version = 14 : i64} {
  func.func @_dist_body(%arg0: i32, %arg1: memref<784x256xf32, #tpu.memory_space<vmem>>, %arg2: memref<64x2048xf32, #tpu.memory_space<vmem>>, %arg3: memref<784x4xi32, #tpu.memory_space<vmem>>, %arg4: memref<1x1xf32, #tpu.memory_space<vmem>>) attributes {dimension_semantics = [#tpu.dimension_semantics<arbitrary>], iteration_bounds = array<i64: 8>, scalar_prefetch = 0 : i64, scratch_operands = 0 : i64, tpu.core_type = #tpu.core_type<tc>, window_params = [{transform_indices = @transform_0, window_bounds = array<i64: 784, 256>}, {pipeline_mode = #tpu.pipeline_mode<synchronous>, transform_indices = @transform_1, window_bounds = array<i64: 64, 2048>}, {transform_indices = @transform_2, window_bounds = array<i64: 784, 4>}, {pipeline_mode = #tpu.pipeline_mode<synchronous>, transform_indices = @transform_3, window_bounds = array<i64: 1, 1>}]} {
    %eq3A = arith.constant 0 : i32
    %eq3A_0 = arith.cmpi eq, %arg0, %eq3A : i32
    %convert_element_type3A = arith.extui %eq3A_0 : i1 to i32
    %cond3A = arith.constant 0 : i32
    %cond3A_1 = arith.cmpi ne, %convert_element_type3A, %cond3A : i32
    scf.if %cond3A_1 {
      %broadcast_in_dim3A_184 = arith.constant 0.000000e+00 : f32
      %broadcast_in_dim3A_185 = vector.broadcast %broadcast_in_dim3A_184 : f32 to vector<1x1xf32>
      %swap3A_186 = arith.constant 0 : index
      %swap3A_187 = arith.constant 0 : index
      %swap3A_188 = vector.load %arg4[%swap3A_186, %swap3A_187] : memref<1x1xf32, #tpu.memory_space<vmem>>, vector<1x1xf32>
      tpu.vector_store %arg4[%swap3A_186, %swap3A_187], %broadcast_in_dim3A_185 {strides = array<i32>} : memref<1x1xf32, #tpu.memory_space<vmem>>, vector<1x1xf32>,
    } else {
    }
    %get3A = arith.constant 0 : index
    %get3A_2 = arith.constant 0 : index
    %get3A_3 = vector.load %arg1[%get3A, %get3A_2] : memref<784x256xf32, #tpu.memory_space<vmem>>, vector<784x256xf32>
    %slice3A = vector.extract_strided_slice %get3A_3 {offsets = [0, 0], sizes = [784, 64], strides = [1, 1]} : vector<784x256xf32> to vector<784x64xf32>
    %get3A_4 = arith.constant 0 : index
    %get3A_5 = arith.constant 0 : index
    %get3A_6 = vector.load %arg2[%get3A_4, %get3A_5] : memref<64x2048xf32, #tpu.memory_space<vmem>>, vector<64x512xf32>
    %mul3A = arith.mulf %get3A_6, %get3A_6 : vector<64x512xf32>
    %reduce_sum3A = arith.constant dense<0.000000e+00> : vector<512xf32>
    %reduce_sum3A_7 = vector.multi_reduction <add>, %mul3A, %reduce_sum3A [0] : vector<64x512xf32> to vector<512xf32>
    %dot_general3A = arith.constant dense<0.000000e+00> : vector<784x512xf32>
    %dot_general3A_8 = tpu.matmul %slice3A, %get3A_6, %dot_general3A {dimension_numbers = #tpu.dot_dimension_numbers<[1], [0], [0], [1], [0, 0, 1, 1], [], []>, transpose_lhs_hint = false} : vector<784x64xf32>, vector<64x512xf32>, vector<784x512xf32> -> vector<784x512xf32>
    %mul3A_9 = arith.mulf %slice3A, %slice3A : vector<784x64xf32>
    %reduce_sum3A_10 = arith.constant dense<0.000000e+00> : vector<784xf32>
    %reduce_sum3A_11 = vector.multi_reduction <add>, %mul3A_9, %reduce_sum3A_10 [1] : vector<784x64xf32> to vector<784xf32>
    %broadcast_in_dim3A = vector.shape_cast %reduce_sum3A_11 : vector<784xf32> to vector<784x1xf32>
    %mul3A_12 = arith.constant 2.000000e+00 : f32
    %mul3A_13 = vector.broadcast %mul3A_12 : f32 to vector<784x512xf32>
    %mul3A_14 = arith.mulf %mul3A_13, %dot_general3A_8 : vector<784x512xf32>
    %sub3A = vector.broadcast %broadcast_in_dim3A : vector<784x1xf32> to vector<784x512xf32>
    %sub3A_15 = arith.subf %sub3A, %mul3A_14 : vector<784x512xf32>
    %broadcast_in_dim3A_16 = vector.shape_cast %reduce_sum3A_7 : vector<512xf32> to vector<1x512xf32>
    %add3A = vector.broadcast %broadcast_in_dim3A_16 : vector<1x512xf32> to vector<784x512xf32>
    %add3A_17 = arith.addf %sub3A_15, %add3A : vector<784x512xf32>
    %reduce_min3A = arith.constant dense<0x7F800000> : vector<784xf32>
    %reduce_min3A_18 = vector.multi_reduction <minimumf>, %add3A_17, %reduce_min3A [1] : vector<784x512xf32> to vector<784xf32>
    %broadcast_in_dim3A_19 = vector.shape_cast %reduce_min3A_18 : vector<784xf32> to vector<784x1xf32>
    %iota3A = tpu.iota {dimensions = array<i32: 1>} : vector<784x512xi32>
    %eq3A_20 = vector.broadcast %broadcast_in_dim3A_19 : vector<784x1xf32> to vector<784x512xf32>
    %eq3A_21 = arith.cmpf oeq, %add3A_17, %eq3A_20 : vector<784x512xf32>
    %jit3A = arith.constant 512 : i32
    %broadcast_in_dim3A_22 = vector.broadcast %jit3A : i32 to vector<784x512xi32>
    %select_n3A = arith.select %eq3A_21, %iota3A, %broadcast_in_dim3A_22 : vector<784x512xi1>, vector<784x512xi32>
    %reduce_min3A_23 = arith.constant dense<2147483647> : vector<784xi32>
    %reduce_min3A_24 = vector.multi_reduction <minsi>, %select_n3A, %reduce_min3A_23 [1] : vector<784x512xi32> to vector<784xi32>
    %add3A_25 = arith.constant 0 : i32
    %add3A_26 = vector.broadcast %add3A_25 : i32 to vector<784xi32>
    %add3A_27 = arith.addi %reduce_min3A_24, %add3A_26 : vector<784xi32>
    %swap3A = arith.constant 0 : index
    %swap3A_28 = arith.constant 0 : index
    %swap3A_29 = vector.load %arg3[%swap3A, %swap3A_28] : memref<784x4xi32, #tpu.memory_space<vmem>>, vector<784x1xi32>
    %swap3A_30 = vector.shape_cast %swap3A_29 : vector<784x1xi32> to vector<784xi32>
    %swap3A_31 = vector.shape_cast %add3A_27 : vector<784xi32> to vector<784x1xi32>
    tpu.vector_store %arg3[%swap3A, %swap3A_28], %swap3A_31 {strides = array<i32>} : memref<784x4xi32, #tpu.memory_space<vmem>>, vector<784x1xi32>,
    %reduce_sum3A_32 = vector.shape_cast %broadcast_in_dim3A_19 : vector<784x1xf32> to vector<1x784x1xf32>
    %reduce_sum3A_33 = arith.constant dense<0.000000e+00> : vector<1xf32>
    %reduce_sum3A_34 = vector.multi_reduction <add>, %reduce_sum3A_32, %reduce_sum3A_33 [1, 2] : vector<1x784x1xf32> to vector<1xf32>
    %reduce_sum3A_35 = vector.shape_cast %reduce_sum3A_34 : vector<1xf32> to vector<1x1x1xf32>
    %reduce_sum3A_36 = vector.extract %reduce_sum3A_35[0, 0, 0] : f32 from vector<1x1x1xf32>
    %add3A_37 = arith.constant 0.000000e+00 : f32
    %add3A_38 = arith.addf %add3A_37, %reduce_sum3A_36 : f32
    %slice3A_39 = vector.extract_strided_slice %get3A_3 {offsets = [0, 64], sizes = [784, 64], strides = [1, 1]} : vector<784x256xf32> to vector<784x64xf32>
    %get3A_40 = arith.constant 0 : index
    %get3A_41 = arith.constant 512 : index
    %get3A_42 = vector.load %arg2[%get3A_40, %get3A_41] : memref<64x2048xf32, #tpu.memory_space<vmem>>, vector<64x512xf32>
    %mul3A_43 = arith.mulf %get3A_42, %get3A_42 : vector<64x512xf32>
    %reduce_sum3A_44 = arith.constant dense<0.000000e+00> : vector<512xf32>
    %reduce_sum3A_45 = vector.multi_reduction <add>, %mul3A_43, %reduce_sum3A_44 [0] : vector<64x512xf32> to vector<512xf32>
    %dot_general3A_46 = arith.constant dense<0.000000e+00> : vector<784x512xf32>
    %dot_general3A_47 = tpu.matmul %slice3A_39, %get3A_42, %dot_general3A_46 {dimension_numbers = #tpu.dot_dimension_numbers<[1], [0], [0], [1], [0, 0, 1, 1], [], []>, transpose_lhs_hint = false} : vector<784x64xf32>, vector<64x512xf32>, vector<784x512xf32> -> vector<784x512xf32>
    %mul3A_48 = arith.mulf %slice3A_39, %slice3A_39 : vector<784x64xf32>
    %reduce_sum3A_49 = arith.constant dense<0.000000e+00> : vector<784xf32>
    %reduce_sum3A_50 = vector.multi_reduction <add>, %mul3A_48, %reduce_sum3A_49 [1] : vector<784x64xf32> to vector<784xf32>
    %broadcast_in_dim3A_51 = vector.shape_cast %reduce_sum3A_50 : vector<784xf32> to vector<784x1xf32>
    %mul3A_52 = arith.constant 2.000000e+00 : f32
    %mul3A_53 = vector.broadcast %mul3A_52 : f32 to vector<784x512xf32>
    %mul3A_54 = arith.mulf %mul3A_53, %dot_general3A_47 : vector<784x512xf32>
    %sub3A_55 = vector.broadcast %broadcast_in_dim3A_51 : vector<784x1xf32> to vector<784x512xf32>
    %sub3A_56 = arith.subf %sub3A_55, %mul3A_54 : vector<784x512xf32>
    %broadcast_in_dim3A_57 = vector.shape_cast %reduce_sum3A_45 : vector<512xf32> to vector<1x512xf32>
    %add3A_58 = vector.broadcast %broadcast_in_dim3A_57 : vector<1x512xf32> to vector<784x512xf32>
    %add3A_59 = arith.addf %sub3A_56, %add3A_58 : vector<784x512xf32>
    %reduce_min3A_60 = arith.constant dense<0x7F800000> : vector<784xf32>
    %reduce_min3A_61 = vector.multi_reduction <minimumf>, %add3A_59, %reduce_min3A_60 [1] : vector<784x512xf32> to vector<784xf32>
    %broadcast_in_dim3A_62 = vector.shape_cast %reduce_min3A_61 : vector<784xf32> to vector<784x1xf32>
    %iota3A_63 = tpu.iota {dimensions = array<i32: 1>} : vector<784x512xi32>
    %eq3A_64 = vector.broadcast %broadcast_in_dim3A_62 : vector<784x1xf32> to vector<784x512xf32>
    %eq3A_65 = arith.cmpf oeq, %add3A_59, %eq3A_64 : vector<784x512xf32>
    %jit3A_66 = arith.constant 512 : i32
    %broadcast_in_dim3A_67 = vector.broadcast %jit3A_66 : i32 to vector<784x512xi32>
    %select_n3A_68 = arith.select %eq3A_65, %iota3A_63, %broadcast_in_dim3A_67 : vector<784x512xi1>, vector<784x512xi32>
    %reduce_min3A_69 = arith.constant dense<2147483647> : vector<784xi32>
    %reduce_min3A_70 = vector.multi_reduction <minsi>, %select_n3A_68, %reduce_min3A_69 [1] : vector<784x512xi32> to vector<784xi32>
    %add3A_71 = arith.constant 512 : i32
    %add3A_72 = vector.broadcast %add3A_71 : i32 to vector<784xi32>
    %add3A_73 = arith.addi %reduce_min3A_70, %add3A_72 : vector<784xi32>
    %swap3A_74 = arith.constant 0 : index
    %swap3A_75 = arith.constant 1 : index
    %swap3A_76 = vector.load %arg3[%swap3A_74, %swap3A_75] : memref<784x4xi32, #tpu.memory_space<vmem>>, vector<784x1xi32>
    %swap3A_77 = vector.shape_cast %swap3A_76 : vector<784x1xi32> to vector<784xi32>
    %swap3A_78 = vector.shape_cast %add3A_73 : vector<784xi32> to vector<784x1xi32>
    tpu.vector_store %arg3[%swap3A_74, %swap3A_75], %swap3A_78 {strides = array<i32>} : memref<784x4xi32, #tpu.memory_space<vmem>>, vector<784x1xi32>,
    %reduce_sum3A_79 = vector.shape_cast %broadcast_in_dim3A_62 : vector<784x1xf32> to vector<1x784x1xf32>
    %reduce_sum3A_80 = arith.constant dense<0.000000e+00> : vector<1xf32>
    %reduce_sum3A_81 = vector.multi_reduction <add>, %reduce_sum3A_79, %reduce_sum3A_80 [1, 2] : vector<1x784x1xf32> to vector<1xf32>
    %reduce_sum3A_82 = vector.shape_cast %reduce_sum3A_81 : vector<1xf32> to vector<1x1x1xf32>
    %reduce_sum3A_83 = vector.extract %reduce_sum3A_82[0, 0, 0] : f32 from vector<1x1x1xf32>
    %add3A_84 = arith.addf %add3A_38, %reduce_sum3A_83 : f32
    %slice3A_85 = vector.extract_strided_slice %get3A_3 {offsets = [0, 128], sizes = [784, 64], strides = [1, 1]} : vector<784x256xf32> to vector<784x64xf32>
    %get3A_86 = arith.constant 0 : index
    %get3A_87 = arith.constant 1024 : index
    %get3A_88 = vector.load %arg2[%get3A_86, %get3A_87] : memref<64x2048xf32, #tpu.memory_space<vmem>>, vector<64x512xf32>
    %mul3A_89 = arith.mulf %get3A_88, %get3A_88 : vector<64x512xf32>
    %reduce_sum3A_90 = arith.constant dense<0.000000e+00> : vector<512xf32>
    %reduce_sum3A_91 = vector.multi_reduction <add>, %mul3A_89, %reduce_sum3A_90 [0] : vector<64x512xf32> to vector<512xf32>
    %dot_general3A_92 = arith.constant dense<0.000000e+00> : vector<784x512xf32>
    %dot_general3A_93 = tpu.matmul %slice3A_85, %get3A_88, %dot_general3A_92 {dimension_numbers = #tpu.dot_dimension_numbers<[1], [0], [0], [1], [0, 0, 1, 1], [], []>, transpose_lhs_hint = false} : vector<784x64xf32>, vector<64x512xf32>, vector<784x512xf32> -> vector<784x512xf32>
    %mul3A_94 = arith.mulf %slice3A_85, %slice3A_85 : vector<784x64xf32>
    %reduce_sum3A_95 = arith.constant dense<0.000000e+00> : vector<784xf32>
    %reduce_sum3A_96 = vector.multi_reduction <add>, %mul3A_94, %reduce_sum3A_95 [1] : vector<784x64xf32> to vector<784xf32>
    %broadcast_in_dim3A_97 = vector.shape_cast %reduce_sum3A_96 : vector<784xf32> to vector<784x1xf32>
    %mul3A_98 = arith.constant 2.000000e+00 : f32
    %mul3A_99 = vector.broadcast %mul3A_98 : f32 to vector<784x512xf32>
    %mul3A_100 = arith.mulf %mul3A_99, %dot_general3A_93 : vector<784x512xf32>
    %sub3A_101 = vector.broadcast %broadcast_in_dim3A_97 : vector<784x1xf32> to vector<784x512xf32>
    %sub3A_102 = arith.subf %sub3A_101, %mul3A_100 : vector<784x512xf32>
    %broadcast_in_dim3A_103 = vector.shape_cast %reduce_sum3A_91 : vector<512xf32> to vector<1x512xf32>
    %add3A_104 = vector.broadcast %broadcast_in_dim3A_103 : vector<1x512xf32> to vector<784x512xf32>
    %add3A_105 = arith.addf %sub3A_102, %add3A_104 : vector<784x512xf32>
    %reduce_min3A_106 = arith.constant dense<0x7F800000> : vector<784xf32>
    %reduce_min3A_107 = vector.multi_reduction <minimumf>, %add3A_105, %reduce_min3A_106 [1] : vector<784x512xf32> to vector<784xf32>
    %broadcast_in_dim3A_108 = vector.shape_cast %reduce_min3A_107 : vector<784xf32> to vector<784x1xf32>
    %iota3A_109 = tpu.iota {dimensions = array<i32: 1>} : vector<784x512xi32>
    %eq3A_110 = vector.broadcast %broadcast_in_dim3A_108 : vector<784x1xf32> to vector<784x512xf32>
    %eq3A_111 = arith.cmpf oeq, %add3A_105, %eq3A_110 : vector<784x512xf32>
    %jit3A_112 = arith.constant 512 : i32
    %broadcast_in_dim3A_113 = vector.broadcast %jit3A_112 : i32 to vector<784x512xi32>
    %select_n3A_114 = arith.select %eq3A_111, %iota3A_109, %broadcast_in_dim3A_113 : vector<784x512xi1>, vector<784x512xi32>
    %reduce_min3A_115 = arith.constant dense<2147483647> : vector<784xi32>
    %reduce_min3A_116 = vector.multi_reduction <minsi>, %select_n3A_114, %reduce_min3A_115 [1] : vector<784x512xi32> to vector<784xi32>
    %add3A_117 = arith.constant 1024 : i32
    %add3A_118 = vector.broadcast %add3A_117 : i32 to vector<784xi32>
    %add3A_119 = arith.addi %reduce_min3A_116, %add3A_118 : vector<784xi32>
    %swap3A_120 = arith.constant 0 : index
    %swap3A_121 = arith.constant 2 : index
    %swap3A_122 = vector.load %arg3[%swap3A_120, %swap3A_121] : memref<784x4xi32, #tpu.memory_space<vmem>>, vector<784x1xi32>
    %swap3A_123 = vector.shape_cast %swap3A_122 : vector<784x1xi32> to vector<784xi32>
    %swap3A_124 = vector.shape_cast %add3A_119 : vector<784xi32> to vector<784x1xi32>
    tpu.vector_store %arg3[%swap3A_120, %swap3A_121], %swap3A_124 {strides = array<i32>} : memref<784x4xi32, #tpu.memory_space<vmem>>, vector<784x1xi32>,
    %reduce_sum3A_125 = vector.shape_cast %broadcast_in_dim3A_108 : vector<784x1xf32> to vector<1x784x1xf32>
    %reduce_sum3A_126 = arith.constant dense<0.000000e+00> : vector<1xf32>
    %reduce_sum3A_127 = vector.multi_reduction <add>, %reduce_sum3A_125, %reduce_sum3A_126 [1, 2] : vector<1x784x1xf32> to vector<1xf32>
    %reduce_sum3A_128 = vector.shape_cast %reduce_sum3A_127 : vector<1xf32> to vector<1x1x1xf32>
    %reduce_sum3A_129 = vector.extract %reduce_sum3A_128[0, 0, 0] : f32 from vector<1x1x1xf32>
    %add3A_130 = arith.addf %add3A_84, %reduce_sum3A_129 : f32
    %slice3A_131 = vector.extract_strided_slice %get3A_3 {offsets = [0, 192], sizes = [784, 64], strides = [1, 1]} : vector<784x256xf32> to vector<784x64xf32>
    %get3A_132 = arith.constant 0 : index
    %get3A_133 = arith.constant 1536 : index
    %get3A_134 = vector.load %arg2[%get3A_132, %get3A_133] : memref<64x2048xf32, #tpu.memory_space<vmem>>, vector<64x512xf32>
    %mul3A_135 = arith.mulf %get3A_134, %get3A_134 : vector<64x512xf32>
    %reduce_sum3A_136 = arith.constant dense<0.000000e+00> : vector<512xf32>
    %reduce_sum3A_137 = vector.multi_reduction <add>, %mul3A_135, %reduce_sum3A_136 [0] : vector<64x512xf32> to vector<512xf32>
    %dot_general3A_138 = arith.constant dense<0.000000e+00> : vector<784x512xf32>
    %dot_general3A_139 = tpu.matmul %slice3A_131, %get3A_134, %dot_general3A_138 {dimension_numbers = #tpu.dot_dimension_numbers<[1], [0], [0], [1], [0, 0, 1, 1], [], []>, transpose_lhs_hint = false} : vector<784x64xf32>, vector<64x512xf32>, vector<784x512xf32> -> vector<784x512xf32>
    %mul3A_140 = arith.mulf %slice3A_131, %slice3A_131 : vector<784x64xf32>
    %reduce_sum3A_141 = arith.constant dense<0.000000e+00> : vector<784xf32>
    %reduce_sum3A_142 = vector.multi_reduction <add>, %mul3A_140, %reduce_sum3A_141 [1] : vector<784x64xf32> to vector<784xf32>
    %broadcast_in_dim3A_143 = vector.shape_cast %reduce_sum3A_142 : vector<784xf32> to vector<784x1xf32>
    %mul3A_144 = arith.constant 2.000000e+00 : f32
    %mul3A_145 = vector.broadcast %mul3A_144 : f32 to vector<784x512xf32>
    %mul3A_146 = arith.mulf %mul3A_145, %dot_general3A_139 : vector<784x512xf32>
    %sub3A_147 = vector.broadcast %broadcast_in_dim3A_143 : vector<784x1xf32> to vector<784x512xf32>
    %sub3A_148 = arith.subf %sub3A_147, %mul3A_146 : vector<784x512xf32>
    %broadcast_in_dim3A_149 = vector.shape_cast %reduce_sum3A_137 : vector<512xf32> to vector<1x512xf32>
    %add3A_150 = vector.broadcast %broadcast_in_dim3A_149 : vector<1x512xf32> to vector<784x512xf32>
    %add3A_151 = arith.addf %sub3A_148, %add3A_150 : vector<784x512xf32>
    %reduce_min3A_152 = arith.constant dense<0x7F800000> : vector<784xf32>
    %reduce_min3A_153 = vector.multi_reduction <minimumf>, %add3A_151, %reduce_min3A_152 [1] : vector<784x512xf32> to vector<784xf32>
    %broadcast_in_dim3A_154 = vector.shape_cast %reduce_min3A_153 : vector<784xf32> to vector<784x1xf32>
    %iota3A_155 = tpu.iota {dimensions = array<i32: 1>} : vector<784x512xi32>
    %eq3A_156 = vector.broadcast %broadcast_in_dim3A_154 : vector<784x1xf32> to vector<784x512xf32>
    %eq3A_157 = arith.cmpf oeq, %add3A_151, %eq3A_156 : vector<784x512xf32>
    %jit3A_158 = arith.constant 512 : i32
    %broadcast_in_dim3A_159 = vector.broadcast %jit3A_158 : i32 to vector<784x512xi32>
    %select_n3A_160 = arith.select %eq3A_157, %iota3A_155, %broadcast_in_dim3A_159 : vector<784x512xi1>, vector<784x512xi32>
    %reduce_min3A_161 = arith.constant dense<2147483647> : vector<784xi32>
    %reduce_min3A_162 = vector.multi_reduction <minsi>, %select_n3A_160, %reduce_min3A_161 [1] : vector<784x512xi32> to vector<784xi32>
    %add3A_163 = arith.constant 1536 : i32
    %add3A_164 = vector.broadcast %add3A_163 : i32 to vector<784xi32>
    %add3A_165 = arith.addi %reduce_min3A_162, %add3A_164 : vector<784xi32>
    %swap3A_166 = arith.constant 0 : index
    %swap3A_167 = arith.constant 3 : index
    %swap3A_168 = vector.load %arg3[%swap3A_166, %swap3A_167] : memref<784x4xi32, #tpu.memory_space<vmem>>, vector<784x1xi32>
    %swap3A_169 = vector.shape_cast %swap3A_168 : vector<784x1xi32> to vector<784xi32>
    %swap3A_170 = vector.shape_cast %add3A_165 : vector<784xi32> to vector<784x1xi32>
    tpu.vector_store %arg3[%swap3A_166, %swap3A_167], %swap3A_170 {strides = array<i32>} : memref<784x4xi32, #tpu.memory_space<vmem>>, vector<784x1xi32>,
    %reduce_sum3A_171 = vector.shape_cast %broadcast_in_dim3A_154 : vector<784x1xf32> to vector<1x784x1xf32>
    %reduce_sum3A_172 = arith.constant dense<0.000000e+00> : vector<1xf32>
    %reduce_sum3A_173 = vector.multi_reduction <add>, %reduce_sum3A_171, %reduce_sum3A_172 [1, 2] : vector<1x784x1xf32> to vector<1xf32>
    %reduce_sum3A_174 = vector.shape_cast %reduce_sum3A_173 : vector<1xf32> to vector<1x1x1xf32>
    %reduce_sum3A_175 = vector.extract %reduce_sum3A_174[0, 0, 0] : f32 from vector<1x1x1xf32>
    %add3A_176 = arith.addf %add3A_130, %reduce_sum3A_175 : f32
    %get3A_177 = arith.constant 0 : index
    %get3A_178 = arith.constant 0 : index
    %get3A_179 = vector.load %arg4[%get3A_177, %get3A_178] : memref<1x1xf32, #tpu.memory_space<vmem>>, vector<1x1xf32>
    %reshape3A = vector.broadcast %add3A_176 : f32 to vector<1x1xf32>
    %add3A_180 = arith.addf %get3A_179, %reshape3A : vector<1x1xf32>
    %swap3A_181 = arith.constant 0 : index
    %swap3A_182 = arith.constant 0 : index
    %swap3A_183 = vector.load %arg4[%swap3A_181, %swap3A_182] : memref<1x1xf32, #tpu.memory_space<vmem>>, vector<1x1xf32>
    tpu.vector_store %arg4[%swap3A_181, %swap3A_182], %add3A_180 {strides = array<i32>} : memref<1x1xf32, #tpu.memory_space<vmem>>, vector<1x1xf32>,
    return
  }
  func.func @transform_0(%arg0: i32) -> (i32, i32) {
    %c0_i32 = arith.constant 0 : i32
    %c0_i32_0 = arith.constant 0 : i32
    return %arg0, %c0_i32 : i32, i32
  }
  func.func @transform_1(%arg0: i32) -> (i32, i32) {
    %c0_i32 = arith.constant 0 : i32
    %c0_i32_0 = arith.constant 0 : i32
    %c0_i32_1 = arith.constant 0 : i32
    return %c0_i32, %c0_i32_0 : i32, i32
  }
  func.func @transform_2(%arg0: i32) -> (i32, i32) {
    %c0_i32 = arith.constant 0 : i32
    %c0_i32_0 = arith.constant 0 : i32
    return %arg0, %c0_i32 : i32, i32
  }
  func.func @transform_3(%arg0: i32) -> (i32, i32) {
    %c0_i32 = arith.constant 0 : i32
    %c0_i32_0 = arith.constant 0 : i32
    %c0_i32_1 = arith.constant 0 : i32
    return %c0_i32, %c0_i32_0 : i32, i32
  }
}

</mosaic_0001>

<sc_bundles>
// kernel: kernel.4.cloned.1.call-start
scs
__scs_entry_jumppad:
0x0: {  	(pc) =	sbr.rel $0x88, $3  }
0x1: {  	(tag) =	ssettag $0x0;
	lr =	simm.s32 $0x1  }
0x2: {  	[smem:$0x3F9F] =	sst lr;
	_ =	strace $0xD0000000  }
0x3: {  	_ = 	snop  }
0x4: {  	_ = 	snop  }
0x5: {  	_ = 	snop  }
0x6: {  	_ = 	snop  }
0x7: {  	_ = 	snop  }
__scs_overlays_trampoline_lowered:
0x8: {  	[smem:$0x3FAE] =	sst s0  }
0x9: {  	[smem:$0x3FAF] =	sst s1  }
0xa: {  	[smem:$0x3FB0] =	sst s2  }
0xb: {  	[smem:$0x3FB1] =	sst s3  }
0xc: {  	[smem:$0x3FB2] =	sst s4  }
0xd: {  	[smem:$0x3FB3] =	sst s5  }
0xe: {  	[smem:$0x3FB4] =	sst s6  }
0xf: {  	[smem:$0x3FB5] =	sst s7  }
0x10: {  	[smem:$0x3FB6] =	sst s8  }
0x11: {  	[smem:$0x3FB7] =	sst s9;
	s0 =	simm.s32 @!p0 $0x0  }
0x12: {  	s1 =	sld [smem:$0x3F9D];
	s0 =	simm.s32 @p0 $0x1  }
0x13: {  	[smem:$0x3FB8] =	sst s0;
	s0 =	simm.s32 @!p1 $0x0  }
0x14: {  	s2 =	sld [smem:$0x3F9C];
	s0 =	simm.s32 @p1 $0x1  }
0x15: {  	[smem:$0x3FB9] =	sst s0;
	s0 =	simm.s32 @!p2 $0x0  }
0x16: {  	s3 =	sld [smem:$0x3FDB];
	s0 =	simm.s32 @p2 $0x1  }
0x17: {  	s4 =	simm.s32 $0x1BF5;
	[smem:$0x3FBB] =	sst s0  }
0x18: {  	s0 =	sld [smem:$0x3F9E];
	_ =	swait.ge [sflag:s4], $0x0  }
0x19: {  	s7 =	sld [smem:$0x3F9F]  }
0x1a: {  	s8 =	sadd.s32 $0xFFFFE003, lr  }
0x1b: {  	s9 =	sadd.s32 $0xFFFFFEF7, lr;
	s5 =	simm.s32 $0xFFFFFFFF;
	p2 =	slt.u32 s8, $0xFFFFF086  }
0x1c: {  	p1 =	slt.u32 s9, $0xF7A;
	s5 =	simm.s32 @!p2 $0x0  }
0x1d: {  	s5 =	simm.s32 @p1 $0x1;
	p0 =	seq.s32 s7, s2  }
0x1e: {  	s7 =	smul.u32 @!p0 $0xF7A, s2;
	p2 =	seq.s32 @!p0 s5, $0x0  }
0x1f: {  	s9 =	smul.u32 $0xF7A, s1;
	s8 =	simm.s32 @!p0 $0x1BF5;
	p2 =	por !p2, p0  }
0x20: {  	[sflag:s8] =	ssyncset.s32 @!p0 $0xFFFFF086;
	s6 =	sadd.s32 @!p0 s3, s7;
	s7 =	simm.s32 @!p0 $0x108  }
0x21: {  	s3 =	sadd.s32 s3, s9;
	s6 =	sadd.s32 @!p0 $0x88, s6;
	s7 =	simm.s32 @p2 $0x1082  }
0x22: {  	[simem:s7], [sflag:s8] =	dma.local @!p0 [hbm:s6], $0xF7A  }
0x23: {  	s9 =	sor.u32 $0xD0000000, s2;
	s6 =	simm.s32 $0x108;
	_ =	swait.ge @!p0 [sflag:s8], $0x0  }
0x24: {  	s3 =	sadd.s32 $0x88, s3;
	s6 =	simm.s32 @!p1 $0x1082;
	[sflag:s4] =	ssyncset.s32 $0xFFFFF086  }
0x25: {  	[simem:s6], [sflag:s4] =	dma.local [hbm:s3], $0xF7A  }
0x26: {  	[smem:$0x3F9F] =	sst s1;
	(tag) =	ssettag s2;
	_ =	strace s9  }
0x27: {  	s1 =	sld [smem:$0x3FAF]  }
0x28: {  	s2 =	sld [smem:$0x3FB0]  }
0x29: {  	s4 =	sld [smem:$0x3FB2]  }
0x2a: {  	p0 =	seq.s32 s5, $0x0;
	s5 =	sld [smem:$0x3FB3]  }
0x2b: {  	s6 =	sld [smem:$0x3FB4]  }
0x2c: {  	s7 =	sld [smem:$0x3FB5]  }
0x2d: {  	s3 =	simm.s32 $0x108;
	s8 =	sld [smem:$0x3FB6]  }
0x2e: {  	s3 =	simm.s32 @!p0 $0x1082;
	s9 =	sld [smem:$0x3FB7]  }
0x2f: {  	lr =	sadd.s32 s0, s3;
	s0 =	sld [smem:$0x3FAE]  }
0x30: {  	s3 =	sld [smem:$0x3FB1]  }
0x31: {  	[smem:$0x3FBA] =	sst s10  }
0x32: {  	s10 =	sld [smem:$0x3FB8];
	_ =	sdelay $0x3  }
0x33: {  	p0 =	seq.s32 s10, $0x1;
	s10 =	sld [smem:$0x3FBA];
	_ =	sdelay $0x3  }
0x34: {  	[smem:$0x3FBA] =	sst s10  }
0x35: {  	s10 =	sld [smem:$0x3FB9];
	_ =	sdelay $0x3  }
0x36: {  	p1 =	seq.s32 s10, $0x1;
	s10 =	sld [smem:$0x3FBA];
	_ =	sdelay $0x3  }
0x37: {  	[smem:$0x3FBA] =	sst s10  }
0x38: {  	s10 =	sld [smem:$0x3FBB]  }
0x39: {  	_ = 	snop;
	(pc) =	sbr.ind lr, $3  }
0x3a: {  	_ = 	snop  }
0x3b: {  	_ = 	snop  }
0x3c: {  	p2 =	seq.s32 s10, $0x1;
	s10 =	sld [smem:$0x3FBA]  }
0x3d: {  	_ =	shalt  }
0x3e: {  	_ =	shalt  }
0x3f: {  	_ =	shalt  }
0x40: {  	_ =	shalt  }
0x41: {  	_ =	shalt  }
0x42: {  	_ =	shalt  }
0x43: {  	_ =	shalt  }
0x44: {  	_ =	shalt  }
0x45: {  	_ =	shalt  }
0x46: {  	_ =	shalt  }
0x47: {  	_ =	shalt  }
0x48: {  	_ =	shalt  }
0x49: {  	_ =	shalt  }
0x4a: {  	_ =	shalt  }
0x4b: {  	_ =	shalt  }
0x4c: {  	_ =	shalt  }
0x4d: {  	_ =	shalt  }
0x4e: {  	_ =	shalt  }
0x4f: {  	_ =	shalt  }
0x50: {  	_ =	shalt  }
0x51: {  	_ =	shalt  }
0x52: {  	_ =	shalt  }
0x53: {  	_ =	shalt  }
0x54: {  	_ =	shalt  }
0x55: {  	_ =	shalt  }
0x56: {  	_ =	shalt  }
0x57: {  	_ =	shalt  }
0x58: {  	_ =	shalt  }
0x59: {  	_ =	shalt  }
0x5a: {  	_ =	shalt  }
0x5b: {  	_ =	shalt  }
0x5c: {  	_ =	shalt  }
0x5d: {  	_ =	shalt  }
0x5e: {  	_ =	shalt  }
0x5f: {  	_ =	shalt  }
0x60: {  	_ =	shalt  }
0x61: {  	_ =	shalt  }
0x62: {  	_ =	shalt  }
0x63: {  	_ =	shalt  }
0x64: {  	_ =	shalt  }
0x65: {  	_ =	shalt  }
0x66: {  	_ =	shalt  }
0x67: {  	_ =	shalt  }
0x68: {  	_ =	shalt  }
0x69: {  	_ =	shalt  }
0x6a: {  	_ =	shalt  }
0x6b: {  	_ =	shalt  }
0x6c: {  	_ =	shalt  }
0x6d: {  	_ =	shalt  }
0x6e: {  	_ =	shalt  }
0x6f: {  	_ =	shalt  }
0x70: {  	_ =	shalt  }
0x71: {  	_ =	shalt  }
0x72: {  	_ =	shalt  }
0x73: {  	_ =	shalt  }
0x74: {  	_ =	shalt  }
0x75: {  	_ =	shalt  }
0x76: {  	_ =	shalt  }
0x77: {  	_ =	shalt  }
0x78: {  	_ =	shalt  }
0x79: {  	_ =	shalt  }
0x7a: {  	_ =	shalt  }
0x7b: {  	_ =	shalt  }
0x7c: {  	_ =	shalt  }
0x7d: {  	_ =	shalt  }
0x7e: {  	_ =	shalt  }
0x7f: {  	_ =	shalt  }
0x80: {  	_ =	shalt  }
0x81: {  	_ =	shalt  }
0x82: {  	_ =	shalt  }
0x83: {  	_ =	shalt  }
0x84: {  	_ =	shalt  }
0x85: {  	_ =	shalt  }
0x86: {  	_ =	shalt  }
0x87: {  	_ =	shalt  }
.Lfunc_end0:
.L_simem_size_0:
called_computation_lowered:
.L_overlay_start_0:
0x88: {  	s2 =	sld [smem:$0x3FD9]  }
0x89: {  	s3 =	sld [smem:$0x3FFE];
	_ =	sdelay $0x1  }
0x8a: {  	s1 =	srdreg.scid  }
0x8b: {  	s0 =	sand.u32 $0x1, s1  }
0x8c: {  	s14 =	sshll.u32 s0, $0xA;
	s2 =	sadd.s32 s3, s2  }
0x8d: {  	s2 =	sadd.s32 s2, s14  }
0x8e: {  	[smem:$0x3FC6] =	sst s2  }
0x8f: {  	_ = 	snop  }
0x90: {  	s2 =	sld [smem:$0x3FD0];
	_ =	sdelay $0x2  }
0x91: {  	s15 =	simm.s32 $0xA;
	s4 =	simm.s32 $0x10  }
0x92: {  	[smem:s4], [sflag:s15] =	dma.local [hbm:s2], $0x1  }
0x93: {  	_ =	swait.eq [sflag:s15], $0x1  }
0x94: {  	[sflag:s15] =	ssyncset.done $0x0  }
0x95: {  	[sflag:s15] =	ssyncadd.s32 $0xFFFFFFFF  }
0x96: {  	s16 =	sld [smem:$0x10];
	(tm) =	ssettm $0x1  }
0x97: {  	s17 =	sld [smem:$0x3FFB];
	_ =	sdelay $0x3  }
0x98: {  	_ =	strace s17  }
0x99: {  	s3 =	sld [smem:$0x3FFC];
	_ =	sdelay $0x3  }
0x9a: {  	_ =	strace s3  }
0x9b: {  	s3 =	sld [smem:$0x3FFD];
	_ =	sdelay $0x3  }
0x9c: {  	_ =	strace s3  }
0x9d: {  	_ =	strace $0x8FFFFFFF  }
0x9e: {  	s18 =	sld [smem:$0x3FDB];
	_ =	sdelay $0x1  }
0x9f: {  	s19 =	simm.s32 $_scs_section_size  }
0xa0: {  	s5 =	simm.s32 $_size__tile_overlayer_lowered;
	s6 =	simm.s32 $_tile_overlayer_lowered  }
0xa1: {  	s22 =	simm.s32 $0x1BFF;
	s21 =	sshll.u32 s6, $0x1;
	s3 =	sadd.s32 s19, s18  }
0xa2: {  	s7 =	simm.s32 $0x0;
	s20 =	sshll.u32 s5, $0x1;
	s5 =	sadd.s32 s21, s3  }
0xa3: {  	[timem:s7], [sflag:s22] =	dma.local [hbm:s5], s20  }
0xa4: {  	_ =	swait.ge [sflag:s22], s20  }
0xa5: {  	s4 =	ssub.s32 $0x0, s20;
	[sflag:s22] =	ssyncset.done $0x0  }
0xa6: {  	[sflag:s22] =	ssyncadd.s32 s4;
	_ =	sdelay $0x1  }
0xa7: {  	s23 =	simm.s32 $0x1B8B  }
0xa8: {  	_ =	swait.ge [sflag:s23], $0x1  }
0xa9: {  	[sflag:s23] =	ssyncset.done $0x0  }
0xaa: {  	s25 =	simm.s32 $0x1B8E;
	s24 =	sld [smem:$0x3FFE];
	[sflag:s23] =	ssyncadd.s32 $0xFFFFFFFF  }
0xab: {  	s26 =	simm.s32 $execute0_lowered;
	[smem:$0x3FD2] =	sst s25  }
0xac: {  	s5 =	sshll.u32 s26, $0x1;
	_ =	strace $0x80000046;
	[dreg:$0x1] =	wrdreg $0xFFFFFFFF  }
0xad: {  	s28 =	simm.s32 $_size_execute0_lowered;
	s3 =	sadd.s32 s3, s5;
	[dreg:$0x0] =	wrdreg $0x0  }
0xae: {  	s5 =	sshll.u32 s28, $0x1;
	[dreg:$0x2] =	wrdreg s3  }
0xaf: {  	[dreg:$0x3] =	wrdreg s5  }
0xb0: {  	[dreg:$0x4] =	wrdreg $0xC0  }
0xb1: {  	_ =	task [dreg:s7], $0x5FFFF  }
0xb2: {  	[dreg:$0x1] =	wrdreg $0xFFFFFFFF  }
0xb3: {  	[dreg:$0x0] =	wrdreg $0x60  }
0xb4: {  	[dreg:$0x2] =	wrdreg s16  }
0xb5: {  	[dreg:$0x3] =	wrdreg s24  }
0xb6: {  	[dreg:$0x4] =	wrdreg $0x9  }
0xb7: {  	_ =	task.clear_ibuf [dreg:s7], $0x5FFFF;
	_ =	strace $0x90000046  }
0xb8: {  	s29 =	simm.s32 $0x9;
	_ =	strace $0x80000048  }
0xb9: {  	_ =	swait.ge [sflag:s29], $0x1  }
0xba: {  	[sflag:s29] =	ssyncadd.s32 $0xFFFFFFFF  }
0xbb: {  	_ =	strace $0x90000048  }
0xbc: {  	_ =	sfence  }
0xbd: {  	s30 =	sld [smem:$0x0];
	_ =	sdelay $0x2  }
0xbe: {  	s31 =	sshll.u32 s1, $0xD;
	s1 =	sshrl.u32 s1, $0x2  }
0xbf: {  	s3 =	sand.u32 $0x4000, s31;
	s1 =	sadd.s32 s1, s30  }
0xc0: {  	s0 =	sor.u32 s3, s0;
	s1 =	sshll.u32 s1, $0x11  }
0xc1: {  	s0 =	sor.u32 s1, s0  }
0xc2: {  	s0 =	sadd.s32 $0x8F2B, s0  }
0xc3: {  	[sflag:s0] =	ssyncadd.remote.s32 $0x1  }
0xc4: {  	_ =	sfence.sel $0xFFFF  }
0xc5: {  	[dreg:$0x0] =	wrdreg $0xFFFFFFFF;
	(pc) =	sbr.abs _section_cstart, $3  }
0xc6: {  	[dreg:$0x1] =	wrdreg $0xFFFFFFFF  }
0xc7: {  	_ =	task.clear_ibuf [dreg:s7], $0x2FFFF;
	_ =	strace $0x9FFFFFFF  }
0xc8: {  	(tm) =	ssettm $0x7FFFFFFF  }
0xc9: {  	_ =	shalt  }
tec
execute0_lowered:
.L_overlay_start_1:
0x0: {  	(tag) =	ssettag $0x1  }
0x1: {  	s1 =	srdreg.scid;
	s2 =	rddreg [dreg:$0x0]  }
0x2: {  	s0 =	stileid.u32;
	s5 =	rddreg [dreg:$0x1];
	s3 =	simm.s32 $0x0  }
0x3: {  	s8 =	simm.s32 $0xC8;
	s9 =	simm.s32 $0x380;
	s10 =	simm.s32 $0x6780  }
0x4: {  	s11 =	simm.s32 $0x1;
	s12 =	simm.s32 $0x190;
	s13 =	simm.s32 $0x2  }
0x5: {  	s14 =	simm.s32 $0xB8;
	s4 =	sand.u32 $0x1, s1;
	s30 =	sshll.u32 s0, $0x1  }
0x6: {  	s15 =	simm.s32 $0x258;
	s16 =	simm.s32 $0xCB80;
	s6 =	sor.u32 s4, s30  }
0x7: {  	s17 =	simm.s32 $0x0;
	s1 =	rddreg [dreg:$0x2];
	s7 =	smul.u32 $0x62, s6  }
0x8: {  	[smem:$0x7FF] =	sst s3;
	s4 =	ssub.s32 $0x2, s4;
	s6 =	smul.u32 $0x1900, s6  }
0x9: {  	_ =	strace $0x80000047;
	s31 =	sshrl.u32 s4, $0x1;
	s7 =	sadd.s32 s7, s5  }
0xa: {  	s5 =	sadd.s32 s6, s5;
	s6 =	ssub.s32 s4, s31;
	s4 =	sadd.s32 $0x800, s7  }
0xb: {  	s5 =	sadd.s32 $0x1600, s5;
	s6 =	smax.u32 s6, $0x1;
	s7 =	simm.s32 $0x3  }
.LBB2_1:
0xc: {  	[tilespmem:s3], [sflag:$0x3] =	stream.linear.gather [hbm4b:s4+s3], $0x310, $0x38;
	[tilespmem:$0x19380] =	vst v63  }
0xd: {  	_ =	swait.ge [sflag:s7], $0x310  }
0xe: {  	[sflag:s7] =	ssyncset.done $0x0  }
0xf: {  	[sflag:s7] =	ssyncadd.s32 $0xFFFFFCF0  }
0x10: {  	[tilespmem:s9], [sflag:$0x1] =	stream.indirect.gather [hbm4b:s2+s8], $0x80, s3, s8, $0xb8;
	[tilespmem:$0x19380] =	vst v63  }
0x11: {  	_ = 	snop  }
0x12: {  	[tilespmem:s10], [sflag:$0x2] =	stream.indirect.gather [hbm4b:s2+s8], $0x80, s8, s8, $0xb8;
	[tilespmem:$0x19380] =	vst v63  }
0x13: {  	_ =	swait.ge [sflag:s11], $0x6400  }
0x14: {  	[sflag:s11] =	ssyncset.done $0x0  }
0x15: {  	s18 =	simm.s32 $0x480;
	[sflag:s11] =	ssyncadd.s32 $0xFFFF9C00  }
0x16: {  	v0 =	vld [tilespmem:s18+$0xFFFFFF00];
	_ =	sdelay $0x2  }
0x17: {  	s19 =	sand.u32 $0x3800, s3;
	s20 =	sand.u32 $0x380, s3  }
0x18: {  	s19 =	sor.u32 s20, s19  }
0x19: {  	[tilespmem:s19+$0xCB80] =	vst v0  }
0x1a: {  	v0 =	vld [tilespmem:s18+$0xFFFFFF10];
	_ =	sdelay $0x4  }
0x1b: {  	[tilespmem:s19+$0xCB90] =	vst v0  }
0x1c: {  	v0 =	vld [tilespmem:s18+$0xFFFFFF20];
	_ =	sdelay $0x4  }
0x1d: {  	[tilespmem:s19+$0xCBA0] =	vst v0  }
0x1e: {  	v0 =	vld [tilespmem:s18+$0xFFFFFF30];
	_ =	sdelay $0x4  }
0x1f: {  	[tilespmem:s19+$0xCBB0] =	vst v0  }
0x20: {  	v0 =	vld [tilespmem:s18+$0xFFFFFF80];
	_ =	sdelay $0x4  }
0x21: {  	[tilespmem:s19+$0xCBC0] =	vst v0  }
0x22: {  	v0 =	vld [tilespmem:s18+$0xFFFFFF90];
	_ =	sdelay $0x4  }
0x23: {  	[tilespmem:s19+$0xCBD0] =	vst v0  }
0x24: {  	v0 =	vld [tilespmem:s18+$0xFFFFFFA0];
	_ =	sdelay $0x4  }
0x25: {  	[tilespmem:s19+$0xCBE0] =	vst v0  }
0x26: {  	v0 =	vld [tilespmem:s18+$0xFFFFFFB0];
	_ =	sdelay $0x4  }
0x27: {  	[tilespmem:s19+$0xCBF0] =	vst v0  }
0x28: {  	v0 =	vld [tilespmem:s18+$0x0];
	_ =	sdelay $0x4  }
0x29: {  	[tilespmem:s19+$0xCF80] =	vst v0  }
0x2a: {  	v0 =	vld [tilespmem:s18+$0x10];
	_ =	sdelay $0x4  }
0x2b: {  	[tilespmem:s19+$0xCF90] =	vst v0  }
0x2c: {  	v0 =	vld [tilespmem:s18+$0x20];
	_ =	sdelay $0x4  }
0x2d: {  	[tilespmem:s19+$0xCFA0] =	vst v0  }
0x2e: {  	v0 =	vld [tilespmem:s18+$0x30];
	_ =	sdelay $0x4  }
0x2f: {  	[tilespmem:s19+$0xCFB0] =	vst v0  }
0x30: {  	v0 =	vld [tilespmem:s18+$0x80];
	_ =	sdelay $0x4  }
0x31: {  	[tilespmem:s19+$0xCFC0] =	vst v0  }
0x32: {  	v0 =	vld [tilespmem:s18+$0x90];
	_ =	sdelay $0x4  }
0x33: {  	[tilespmem:s19+$0xCFD0] =	vst v0  }
0x34: {  	v0 =	vld [tilespmem:s18+$0xA0];
	_ =	sdelay $0x4  }
0x35: {  	[tilespmem:s19+$0xCFE0] =	vst v0  }
0x36: {  	v0 =	vld [tilespmem:s18+$0xB0];
	_ =	sdelay $0x4  }
0x37: {  	s18 =	simm.s32 $0x680;
	[tilespmem:s19+$0xCFF0] =	vst v0  }
0x38: {  	s21 =	simm.s32 $0x200;
	s20 =	simm.s32 $0x0;
	s19 =	simm.s32 $0x100;
	v0 =	vld [tilespmem:s18+$0xFFFFFF00]  }
.LBB2_2:
0x39: {  	p0 =	sne.s32 s21, $0x3100  }
0x3a: {  	s20 =	sadd.s32 $0x80, s20  }
0x3b: {  	s22 =	sand.u32 $0x3800, s19;
	s19 =	smov.u32 s21;
	s23 =	sand.u32 $0x380, s20  }
0x3c: {  	s22 =	sor.u32 s23, s22  }
0x3d: {  	[tilespmem:s22+$0xCB80] =	vst v0  }
0x3e: {  	v0 =	vld [tilespmem:s18+$0xFFFFFF10];
	_ =	sdelay $0x4  }
0x3f: {  	[tilespmem:s22+$0xCB90] =	vst v0  }
0x40: {  	v0 =	vld [tilespmem:s18+$0xFFFFFF20];
	_ =	sdelay $0x4  }
0x41: {  	[tilespmem:s22+$0xCBA0] =	vst v0  }
0x42: {  	v0 =	vld [tilespmem:s18+$0xFFFFFF30];
	_ =	sdelay $0x4  }
0x43: {  	[tilespmem:s22+$0xCBB0] =	vst v0  }
0x44: {  	v0 =	vld [tilespmem:s18+$0xFFFFFF80];
	_ =	sdelay $0x4  }
0x45: {  	[tilespmem:s22+$0xCBC0] =	vst v0  }
0x46: {  	v0 =	vld [tilespmem:s18+$0xFFFFFF90];
	_ =	sdelay $0x4  }
0x47: {  	[tilespmem:s22+$0xCBD0] =	vst v0  }
0x48: {  	v0 =	vld [tilespmem:s18+$0xFFFFFFA0];
	_ =	sdelay $0x4  }
0x49: {  	[tilespmem:s22+$0xCBE0] =	vst v0  }
0x4a: {  	v0 =	vld [tilespmem:s18+$0xFFFFFFB0];
	_ =	sdelay $0x4  }
0x4b: {  	[tilespmem:s22+$0xCBF0] =	vst v0  }
0x4c: {  	v0 =	vld [tilespmem:s18+$0x0];
	_ =	sdelay $0x4  }
0x4d: {  	[tilespmem:s22+$0xCF80] =	vst v0  }
0x4e: {  	v0 =	vld [tilespmem:s18+$0x10];
	_ =	sdelay $0x4  }
0x4f: {  	[tilespmem:s22+$0xCF90] =	vst v0  }
0x50: {  	v0 =	vld [tilespmem:s18+$0x20];
	_ =	sdelay $0x4  }
0x51: {  	[tilespmem:s22+$0xCFA0] =	vst v0  }
0x52: {  	v0 =	vld [tilespmem:s18+$0x30];
	_ =	sdelay $0x4  }
0x53: {  	[tilespmem:s22+$0xCFB0] =	vst v0  }
0x54: {  	v0 =	vld [tilespmem:s18+$0x80];
	_ =	sdelay $0x4  }
0x55: {  	[tilespmem:s22+$0xCFC0] =	vst v0  }
0x56: {  	v0 =	vld [tilespmem:s18+$0x90];
	_ =	sdelay $0x4  }
0x57: {  	[tilespmem:s22+$0xCFD0] =	vst v0  }
0x58: {  	v0 =	vld [tilespmem:s18+$0xA0];
	_ =	sdelay $0x4  }
0x59: {  	[tilespmem:s22+$0xCFE0] =	vst v0  }
0x5a: {  	v0 =	vld [tilespmem:s18+$0xB0];
	_ =	sdelay $0x1  }
.Ltmp0:
0x5b: {  	(pc) =	sbr.rel @p0 .LBB2_2-.Ltmp0, $3  }
0x5c: {  	_ =	sdelay $0x1  }
0x5d: {  	s18 =	sadd.s32 $0x200, s18;
	[tilespmem:s22+$0xCFF0] =	vst v0  }
0x5e: {  	s21 =	sadd.s32 $0x100, s21;
	v0 =	vld [tilespmem:s18+$0xFFFFFF00]  }
0x5f: {  	_ = 	snop  }
0x60: {  	s20 =	sadd.s32 $0x80, s20  }
0x61: {  	s19 =	sand.u32 $0x3800, s19;
	s20 =	sand.u32 $0x380, s20  }
0x62: {  	s19 =	sor.u32 s20, s19  }
0x63: {  	[tilespmem:s19+$0xCB80] =	vst v0  }
0x64: {  	v0 =	vld [tilespmem:s18+$0xFFFFFF10];
	_ =	sdelay $0x4  }
0x65: {  	[tilespmem:s19+$0xCB90] =	vst v0  }
0x66: {  	v0 =	vld [tilespmem:s18+$0xFFFFFF20];
	_ =	sdelay $0x4  }
0x67: {  	[tilespmem:s19+$0xCBA0] =	vst v0  }
0x68: {  	v0 =	vld [tilespmem:s18+$0xFFFFFF30];
	_ =	sdelay $0x4  }
0x69: {  	[tilespmem:s19+$0xCBB0] =	vst v0  }
0x6a: {  	v0 =	vld [tilespmem:s18+$0xFFFFFF80];
	_ =	sdelay $0x4  }
0x6b: {  	[tilespmem:s19+$0xCBC0] =	vst v0  }
0x6c: {  	v0 =	vld [tilespmem:s18+$0xFFFFFF90];
	_ =	sdelay $0x4  }
0x6d: {  	[tilespmem:s19+$0xCBD0] =	vst v0  }
0x6e: {  	v0 =	vld [tilespmem:s18+$0xFFFFFFA0];
	_ =	sdelay $0x4  }
0x6f: {  	[tilespmem:s19+$0xCBE0] =	vst v0  }
0x70: {  	v0 =	vld [tilespmem:s18+$0xFFFFFFB0];
	_ =	sdelay $0x4  }
0x71: {  	[tilespmem:s19+$0xCBF0] =	vst v0  }
0x72: {  	v0 =	vld [tilespmem:s18+$0x0];
	_ =	sdelay $0x4  }
0x73: {  	[tilespmem:s19+$0xCF80] =	vst v0  }
0x74: {  	v0 =	vld [tilespmem:s18+$0x10];
	_ =	sdelay $0x4  }
0x75: {  	[tilespmem:s19+$0xCF90] =	vst v0  }
0x76: {  	v0 =	vld [tilespmem:s18+$0x20];
	_ =	sdelay $0x4  }
0x77: {  	[tilespmem:s19+$0xCFA0] =	vst v0  }
0x78: {  	v0 =	vld [tilespmem:s18+$0x30];
	_ =	sdelay $0x4  }
0x79: {  	[tilespmem:s19+$0xCFB0] =	vst v0  }
0x7a: {  	v0 =	vld [tilespmem:s18+$0x80];
	_ =	sdelay $0x4  }
0x7b: {  	[tilespmem:s19+$0xCFC0] =	vst v0  }
0x7c: {  	v0 =	vld [tilespmem:s18+$0x90];
	_ =	sdelay $0x4  }
0x7d: {  	[tilespmem:s19+$0xCFD0] =	vst v0  }
0x7e: {  	v0 =	vld [tilespmem:s18+$0xA0];
	_ =	sdelay $0x4  }
0x7f: {  	[tilespmem:s19+$0xCFE0] =	vst v0  }
0x80: {  	v0 =	vld [tilespmem:s18+$0xB0];
	_ =	sdelay $0x4  }
0x81: {  	[tilespmem:s19+$0xCFF0] =	vst v0  }
0x82: {  	[tilespmem:s9], [sflag:$0x1] =	stream.indirect.gather [hbm4b:s2+s8], $0x80, s12, s8, $0xb8;
	[tilespmem:$0x19380] =	vst v63  }
0x83: {  	_ =	swait.ge [sflag:s13], $0x6400  }
0x84: {  	[sflag:s13] =	ssyncset.done $0x0  }
0x85: {  	s30 =	simm.s32 $0x6880;
	[sflag:s13] =	ssyncadd.s32 $0xFFFF9C00  }
0x86: {  	v0 =	vld [tilespmem:s30+$0xFFFFFF00];
	_ =	sdelay $0x1  }
0x87: {  	s31 =	simm.s32 $0x3200;
	s18 =	simm.s32 $0x1900  }
0x88: {  	s20 =	sand.u32 $0x7800, s31;
	s21 =	sand.u32 $0x380, s18  }
0x89: {  	s20 =	sor.u32 s21, s20  }
0x8a: {  	[tilespmem:s20+$0xCB80] =	vst v0  }
0x8b: {  	v0 =	vld [tilespmem:s30+$0xFFFFFF10];
	_ =	sdelay $0x4  }
0x8c: {  	[tilespmem:s20+$0xCB90] =	vst v0  }
0x8d: {  	v0 =	vld [tilespmem:s30+$0xFFFFFF20];
	_ =	sdelay $0x4  }
0x8e: {  	[tilespmem:s20+$0xCBA0] =	vst v0  }
0x8f: {  	v0 =	vld [tilespmem:s30+$0xFFFFFF30];
	_ =	sdelay $0x4  }
0x90: {  	[tilespmem:s20+$0xCBB0] =	vst v0  }
0x91: {  	v0 =	vld [tilespmem:s30+$0xFFFFFF80];
	_ =	sdelay $0x4  }
0x92: {  	[tilespmem:s20+$0xCBC0] =	vst v0  }
0x93: {  	v0 =	vld [tilespmem:s30+$0xFFFFFF90];
	_ =	sdelay $0x4  }
0x94: {  	[tilespmem:s20+$0xCBD0] =	vst v0  }
0x95: {  	v0 =	vld [tilespmem:s30+$0xFFFFFFA0];
	_ =	sdelay $0x4  }
0x96: {  	[tilespmem:s20+$0xCBE0] =	vst v0  }
0x97: {  	v0 =	vld [tilespmem:s30+$0xFFFFFFB0];
	_ =	sdelay $0x4  }
0x98: {  	[tilespmem:s20+$0xCBF0] =	vst v0  }
0x99: {  	v0 =	vld [tilespmem:s30+$0x0];
	_ =	sdelay $0x4  }
0x9a: {  	[tilespmem:s20+$0xCF80] =	vst v0  }
0x9b: {  	v0 =	vld [tilespmem:s30+$0x10];
	_ =	sdelay $0x4  }
0x9c: {  	[tilespmem:s20+$0xCF90] =	vst v0  }
0x9d: {  	v0 =	vld [tilespmem:s30+$0x20];
	_ =	sdelay $0x4  }
0x9e: {  	[tilespmem:s20+$0xCFA0] =	vst v0  }
0x9f: {  	v0 =	vld [tilespmem:s30+$0x30];
	_ =	sdelay $0x4  }
0xa0: {  	[tilespmem:s20+$0xCFB0] =	vst v0  }
0xa1: {  	v0 =	vld [tilespmem:s30+$0x80];
	_ =	sdelay $0x4  }
0xa2: {  	[tilespmem:s20+$0xCFC0] =	vst v0  }
0xa3: {  	v0 =	vld [tilespmem:s30+$0x90];
	_ =	sdelay $0x4  }
0xa4: {  	[tilespmem:s20+$0xCFD0] =	vst v0  }
0xa5: {  	v0 =	vld [tilespmem:s30+$0xA0];
	_ =	sdelay $0x4  }
0xa6: {  	[tilespmem:s20+$0xCFE0] =	vst v0  }
0xa7: {  	v0 =	vld [tilespmem:s30+$0xB0];
	_ =	sdelay $0x4  }
0xa8: {  	s19 =	simm.s32 $0x6A80;
	[tilespmem:s20+$0xCFF0] =	vst v0  }
0xa9: {  	s21 =	simm.s32 $0x3400;
	s20 =	simm.s32 $0x3300;
	v0 =	vld [tilespmem:s19+$0xFFFFFF00]  }
.LBB2_4:
0xaa: {  	p0 =	sne.s32 s21, $0x6300  }
0xab: {  	s18 =	sadd.s32 $0x80, s18  }
0xac: {  	s22 =	sand.u32 $0x7800, s20;
	s20 =	smov.u32 s21;
	s23 =	sand.u32 $0x380, s18  }
0xad: {  	s22 =	sor.u32 s23, s22  }
0xae: {  	[tilespmem:s22+$0xCB80] =	vst v0  }
0xaf: {  	v0 =	vld [tilespmem:s19+$0xFFFFFF10];
	_ =	sdelay $0x4  }
0xb0: {  	[tilespmem:s22+$0xCB90] =	vst v0  }
0xb1: {  	v0 =	vld [tilespmem:s19+$0xFFFFFF20];
	_ =	sdelay $0x4  }
0xb2: {  	[tilespmem:s22+$0xCBA0] =	vst v0  }
0xb3: {  	v0 =	vld [tilespmem:s19+$0xFFFFFF30];
	_ =	sdelay $0x4  }
0xb4: {  	[tilespmem:s22+$0xCBB0] =	vst v0  }
0xb5: {  	v0 =	vld [tilespmem:s19+$0xFFFFFF80];
	_ =	sdelay $0x4  }
0xb6: {  	[tilespmem:s22+$0xCBC0] =	vst v0  }
0xb7: {  	v0 =	vld [tilespmem:s19+$0xFFFFFF90];
	_ =	sdelay $0x4  }
0xb8: {  	[tilespmem:s22+$0xCBD0] =	vst v0  }
0xb9: {  	v0 =	vld [tilespmem:s19+$0xFFFFFFA0];
	_ =	sdelay $0x4  }
0xba: {  	[tilespmem:s22+$0xCBE0] =	vst v0  }
0xbb: {  	v0 =	vld [tilespmem:s19+$0xFFFFFFB0];
	_ =	sdelay $0x4  }
0xbc: {  	[tilespmem:s22+$0xCBF0] =	vst v0  }
0xbd: {  	v0 =	vld [tilespmem:s19+$0x0];
	_ =	sdelay $0x4  }
0xbe: {  	[tilespmem:s22+$0xCF80] =	vst v0  }
0xbf: {  	v0 =	vld [tilespmem:s19+$0x10];
	_ =	sdelay $0x4  }
0xc0: {  	[tilespmem:s22+$0xCF90] =	vst v0  }
0xc1: {  	v0 =	vld [tilespmem:s19+$0x20];
	_ =	sdelay $0x4  }
0xc2: {  	[tilespmem:s22+$0xCFA0] =	vst v0  }
0xc3: {  	v0 =	vld [tilespmem:s19+$0x30];
	_ =	sdelay $0x4  }
0xc4: {  	[tilespmem:s22+$0xCFB0] =	vst v0  }
0xc5: {  	v0 =	vld [tilespmem:s19+$0x80];
	_ =	sdelay $0x4  }
0xc6: {  	[tilespmem:s22+$0xCFC0] =	vst v0  }
0xc7: {  	v0 =	vld [tilespmem:s19+$0x90];
	_ =	sdelay $0x4  }
0xc8: {  	[tilespmem:s22+$0xCFD0] =	vst v0  }
0xc9: {  	v0 =	vld [tilespmem:s19+$0xA0];
	_ =	sdelay $0x4  }
0xca: {  	[tilespmem:s22+$0xCFE0] =	vst v0  }
0xcb: {  	v0 =	vld [tilespmem:s19+$0xB0];
	_ =	sdelay $0x1  }
.Ltmp1:
0xcc: {  	(pc) =	sbr.rel @p0 .LBB2_4-.Ltmp1, $3  }
0xcd: {  	_ =	sdelay $0x1  }
0xce: {  	s19 =	sadd.s32 $0x200, s19;
	[tilespmem:s22+$0xCFF0] =	vst v0  }
0xcf: {  	s21 =	sadd.s32 $0x100, s21;
	v0 =	vld [tilespmem:s19+$0xFFFFFF00]  }
0xd0: {  	_ = 	snop  }
0xd1: {  	s18 =	sadd.s32 $0x80, s18  }
0xd2: {  	s20 =	sand.u32 $0x7800, s20;
	s18 =	sand.u32 $0x380, s18  }
0xd3: {  	s18 =	sor.u32 s18, s20  }
0xd4: {  	[tilespmem:s18+$0xCB80] =	vst v0  }
0xd5: {  	v0 =	vld [tilespmem:s19+$0xFFFFFF10];
	_ =	sdelay $0x4  }
0xd6: {  	[tilespmem:s18+$0xCB90] =	vst v0  }
0xd7: {  	v0 =	vld [tilespmem:s19+$0xFFFFFF20];
	_ =	sdelay $0x4  }
0xd8: {  	[tilespmem:s18+$0xCBA0] =	vst v0  }
0xd9: {  	v0 =	vld [tilespmem:s19+$0xFFFFFF30];
	_ =	sdelay $0x4  }
0xda: {  	[tilespmem:s18+$0xCBB0] =	vst v0  }
0xdb: {  	v0 =	vld [tilespmem:s19+$0xFFFFFF80];
	_ =	sdelay $0x4  }
0xdc: {  	[tilespmem:s18+$0xCBC0] =	vst v0  }
0xdd: {  	v0 =	vld [tilespmem:s19+$0xFFFFFF90];
	_ =	sdelay $0x4  }
0xde: {  	[tilespmem:s18+$0xCBD0] =	vst v0  }
0xdf: {  	v0 =	vld [tilespmem:s19+$0xFFFFFFA0];
	_ =	sdelay $0x4  }
0xe0: {  	[tilespmem:s18+$0xCBE0] =	vst v0  }
0xe1: {  	v0 =	vld [tilespmem:s19+$0xFFFFFFB0];
	_ =	sdelay $0x4  }
0xe2: {  	[tilespmem:s18+$0xCBF0] =	vst v0  }
0xe3: {  	v0 =	vld [tilespmem:s19+$0x0];
	_ =	sdelay $0x4  }
0xe4: {  	[tilespmem:s18+$0xCF80] =	vst v0  }
0xe5: {  	v0 =	vld [tilespmem:s19+$0x10];
	_ =	sdelay $0x4  }
0xe6: {  	[tilespmem:s18+$0xCF90] =	vst v0  }
0xe7: {  	v0 =	vld [tilespmem:s19+$0x20];
	_ =	sdelay $0x4  }
0xe8: {  	[tilespmem:s18+$0xCFA0] =	vst v0  }
0xe9: {  	v0 =	vld [tilespmem:s19+$0x30];
	_ =	sdelay $0x4  }
0xea: {  	[tilespmem:s18+$0xCFB0] =	vst v0  }
0xeb: {  	v0 =	vld [tilespmem:s19+$0x80];
	_ =	sdelay $0x4  }
0xec: {  	[tilespmem:s18+$0xCFC0] =	vst v0  }
0xed: {  	v0 =	vld [tilespmem:s19+$0x90];
	_ =	sdelay $0x4  }
0xee: {  	[tilespmem:s18+$0xCFD0] =	vst v0  }
0xef: {  	v0 =	vld [tilespmem:s19+$0xA0];
	_ =	sdelay $0x4  }
0xf0: {  	[tilespmem:s18+$0xCFE0] =	vst v0  }
0xf1: {  	v0 =	vld [tilespmem:s19+$0xB0];
	_ =	sdelay $0x4  }
0xf2: {  	[tilespmem:s18+$0xCFF0] =	vst v0  }
0xf3: {  	[tilespmem:s10], [sflag:$0x2] =	stream.indirect.gather [hbm4b:s2+s14], $0x80, s15, s14, $0xb8;
	[tilespmem:$0x19380] =	vst v63  }
0xf4: {  	_ =	swait.ge [sflag:s11], $0x6400  }
0xf5: {  	[sflag:s11] =	ssyncset.done $0x0  }
0xf6: {  	s30 =	simm.s32 $0x480;
	[sflag:s11] =	ssyncadd.s32 $0xFFFF9C00  }
0xf7: {  	v0 =	vld [tilespmem:s30+$0xFFFFFF00];
	_ =	sdelay $0x1  }
0xf8: {  	s31 =	simm.s32 $0x6400;
	s18 =	simm.s32 $0x3200  }
0xf9: {  	s20 =	sand.u32 $0xF800, s31;
	s21 =	sand.u32 $0x380, s18  }
0xfa: {  	s20 =	sor.u32 s21, s20  }
0xfb: {  	[tilespmem:s20+$0xCB80] =	vst v0  }
0xfc: {  	v0 =	vld [tilespmem:s30+$0xFFFFFF10];
	_ =	sdelay $0x4  }
0xfd: {  	[tilespmem:s20+$0xCB90] =	vst v0  }
0xfe: {  	v0 =	vld [tilespmem:s30+$0xFFFFFF20];
	_ =	sdelay $0x4  }
0xff: {  	[tilespmem:s20+$0xCBA0] =	vst v0  }
0x100: {  	v0 =	vld [tilespmem:s30+$0xFFFFFF30];
	_ =	sdelay $0x4  }
0x101: {  	[tilespmem:s20+$0xCBB0] =	vst v0  }
0x102: {  	v0 =	vld [tilespmem:s30+$0xFFFFFF80];
	_ =	sdelay $0x4  }
0x103: {  	[tilespmem:s20+$0xCBC0] =	vst v0  }
0x104: {  	v0 =	vld [tilespmem:s30+$0xFFFFFF90];
	_ =	sdelay $0x4  }
0x105: {  	[tilespmem:s20+$0xCBD0] =	vst v0  }
0x106: {  	v0 =	vld [tilespmem:s30+$0xFFFFFFA0];
	_ =	sdelay $0x4  }
0x107: {  	[tilespmem:s20+$0xCBE0] =	vst v0  }
0x108: {  	v0 =	vld [tilespmem:s30+$0xFFFFFFB0];
	_ =	sdelay $0x4  }
0x109: {  	[tilespmem:s20+$0xCBF0] =	vst v0  }
0x10a: {  	v0 =	vld [tilespmem:s30+$0x0];
	_ =	sdelay $0x4  }
0x10b: {  	[tilespmem:s20+$0xCF80] =	vst v0  }
0x10c: {  	v0 =	vld [tilespmem:s30+$0x10];
	_ =	sdelay $0x4  }
0x10d: {  	[tilespmem:s20+$0xCF90] =	vst v0  }
0x10e: {  	v0 =	vld [tilespmem:s30+$0x20];
	_ =	sdelay $0x4  }
0x10f: {  	[tilespmem:s20+$0xCFA0] =	vst v0  }
0x110: {  	v0 =	vld [tilespmem:s30+$0x30];
	_ =	sdelay $0x4  }
0x111: {  	[tilespmem:s20+$0xCFB0] =	vst v0  }
0x112: {  	v0 =	vld [tilespmem:s30+$0x80];
	_ =	sdelay $0x4  }
0x113: {  	[tilespmem:s20+$0xCFC0] =	vst v0  }
0x114: {  	v0 =	vld [tilespmem:s30+$0x90];
	_ =	sdelay $0x4  }
0x115: {  	[tilespmem:s20+$0xCFD0] =	vst v0  }
0x116: {  	v0 =	vld [tilespmem:s30+$0xA0];
	_ =	sdelay $0x4  }
0x117: {  	[tilespmem:s20+$0xCFE0] =	vst v0  }
0x118: {  	v0 =	vld [tilespmem:s30+$0xB0];
	_ =	sdelay $0x4  }
0x119: {  	s19 =	simm.s32 $0x680;
	[tilespmem:s20+$0xCFF0] =	vst v0  }
0x11a: {  	s21 =	simm.s32 $0x6600;
	s20 =	simm.s32 $0x6500;
	v0 =	vld [tilespmem:s19+$0xFFFFFF00]  }
.LBB2_6:
0x11b: {  	p0 =	sne.s32 s21, $0x9500  }
0x11c: {  	s18 =	sadd.s32 $0x80, s18  }
0x11d: {  	s22 =	sand.u32 $0xF800, s20;
	s20 =	smov.u32 s21;
	s23 =	sand.u32 $0x380, s18  }
0x11e: {  	s22 =	sor.u32 s23, s22  }
0x11f: {  	[tilespmem:s22+$0xCB80] =	vst v0  }
0x120: {  	v0 =	vld [tilespmem:s19+$0xFFFFFF10];
	_ =	sdelay $0x4  }
0x121: {  	[tilespmem:s22+$0xCB90] =	vst v0  }
0x122: {  	v0 =	vld [tilespmem:s19+$0xFFFFFF20];
	_ =	sdelay $0x4  }
0x123: {  	[tilespmem:s22+$0xCBA0] =	vst v0  }
0x124: {  	v0 =	vld [tilespmem:s19+$0xFFFFFF30];
	_ =	sdelay $0x4  }
0x125: {  	[tilespmem:s22+$0xCBB0] =	vst v0  }
0x126: {  	v0 =	vld [tilespmem:s19+$0xFFFFFF80];
	_ =	sdelay $0x4  }
0x127: {  	[tilespmem:s22+$0xCBC0] =	vst v0  }
0x128: {  	v0 =	vld [tilespmem:s19+$0xFFFFFF90];
	_ =	sdelay $0x4  }
0x129: {  	[tilespmem:s22+$0xCBD0] =	vst v0  }
0x12a: {  	v0 =	vld [tilespmem:s19+$0xFFFFFFA0];
	_ =	sdelay $0x4  }
0x12b: {  	[tilespmem:s22+$0xCBE0] =	vst v0  }
0x12c: {  	v0 =	vld [tilespmem:s19+$0xFFFFFFB0];
	_ =	sdelay $0x4  }
0x12d: {  	[tilespmem:s22+$0xCBF0] =	vst v0  }
0x12e: {  	v0 =	vld [tilespmem:s19+$0x0];
	_ =	sdelay $0x4  }
0x12f: {  	[tilespmem:s22+$0xCF80] =	vst v0  }
0x130: {  	v0 =	vld [tilespmem:s19+$0x10];
	_ =	sdelay $0x4  }
0x131: {  	[tilespmem:s22+$0xCF90] =	vst v0  }
0x132: {  	v0 =	vld [tilespmem:s19+$0x20];
	_ =	sdelay $0x4  }
0x133: {  	[tilespmem:s22+$0xCFA0] =	vst v0  }
0x134: {  	v0 =	vld [tilespmem:s19+$0x30];
	_ =	sdelay $0x4  }
0x135: {  	[tilespmem:s22+$0xCFB0] =	vst v0  }
0x136: {  	v0 =	vld [tilespmem:s19+$0x80];
	_ =	sdelay $0x4  }
0x137: {  	[tilespmem:s22+$0xCFC0] =	vst v0  }
0x138: {  	v0 =	vld [tilespmem:s19+$0x90];
	_ =	sdelay $0x4  }
0x139: {  	[tilespmem:s22+$0xCFD0] =	vst v0  }
0x13a: {  	v0 =	vld [tilespmem:s19+$0xA0];
	_ =	sdelay $0x4  }
0x13b: {  	[tilespmem:s22+$0xCFE0] =	vst v0  }
0x13c: {  	v0 =	vld [tilespmem:s19+$0xB0];
	_ =	sdelay $0x1  }
.Ltmp2:
0x13d: {  	(pc) =	sbr.rel @p0 .LBB2_6-.Ltmp2, $3  }
0x13e: {  	_ =	sdelay $0x1  }
0x13f: {  	s19 =	sadd.s32 $0x200, s19;
	[tilespmem:s22+$0xCFF0] =	vst v0  }
0x140: {  	s21 =	sadd.s32 $0x100, s21;
	v0 =	vld [tilespmem:s19+$0xFFFFFF00]  }
0x141: {  	_ = 	snop  }
0x142: {  	s18 =	sadd.s32 $0x80, s18  }
0x143: {  	s20 =	sand.u32 $0xF800, s20;
	s18 =	sand.u32 $0x380, s18  }
0x144: {  	s18 =	sor.u32 s18, s20  }
0x145: {  	[tilespmem:s18+$0xCB80] =	vst v0  }
0x146: {  	v0 =	vld [tilespmem:s19+$0xFFFFFF10];
	_ =	sdelay $0x4  }
0x147: {  	[tilespmem:s18+$0xCB90] =	vst v0  }
0x148: {  	v0 =	vld [tilespmem:s19+$0xFFFFFF20];
	_ =	sdelay $0x4  }
0x149: {  	[tilespmem:s18+$0xCBA0] =	vst v0  }
0x14a: {  	v0 =	vld [tilespmem:s19+$0xFFFFFF30];
	_ =	sdelay $0x4  }
0x14b: {  	[tilespmem:s18+$0xCBB0] =	vst v0  }
0x14c: {  	v0 =	vld [tilespmem:s19+$0xFFFFFF80];
	_ =	sdelay $0x4  }
0x14d: {  	[tilespmem:s18+$0xCBC0] =	vst v0  }
0x14e: {  	v0 =	vld [tilespmem:s19+$0xFFFFFF90];
	_ =	sdelay $0x4  }
0x14f: {  	[tilespmem:s18+$0xCBD0] =	vst v0  }
0x150: {  	v0 =	vld [tilespmem:s19+$0xFFFFFFA0];
	_ =	sdelay $0x4  }
0x151: {  	[tilespmem:s18+$0xCBE0] =	vst v0  }
0x152: {  	v0 =	vld [tilespmem:s19+$0xFFFFFFB0];
	_ =	sdelay $0x4  }
0x153: {  	[tilespmem:s18+$0xCBF0] =	vst v0  }
0x154: {  	v0 =	vld [tilespmem:s19+$0x0];
	_ =	sdelay $0x4  }
0x155: {  	[tilespmem:s18+$0xCF80] =	vst v0  }
0x156: {  	v0 =	vld [tilespmem:s19+$0x10];
	_ =	sdelay $0x4  }
0x157: {  	[tilespmem:s18+$0xCF90] =	vst v0  }
0x158: {  	v0 =	vld [tilespmem:s19+$0x20];
	_ =	sdelay $0x4  }
0x159: {  	[tilespmem:s18+$0xCFA0] =	vst v0  }
0x15a: {  	v0 =	vld [tilespmem:s19+$0x30];
	_ =	sdelay $0x4  }
0x15b: {  	[tilespmem:s18+$0xCFB0] =	vst v0  }
0x15c: {  	v0 =	vld [tilespmem:s19+$0x80];
	_ =	sdelay $0x4  }
0x15d: {  	[tilespmem:s18+$0xCFC0] =	vst v0  }
0x15e: {  	v0 =	vld [tilespmem:s19+$0x90];
	_ =	sdelay $0x4  }
0x15f: {  	[tilespmem:s18+$0xCFD0] =	vst v0  }
0x160: {  	v0 =	vld [tilespmem:s19+$0xA0];
	_ =	sdelay $0x4  }
0x161: {  	[tilespmem:s18+$0xCFE0] =	vst v0  }
0x162: {  	v0 =	vld [tilespmem:s19+$0xB0];
	_ =	sdelay $0x4  }
0x163: {  	[tilespmem:s18+$0xCFF0] =	vst v0  }
0x164: {  	_ =	swait.ge [sflag:s13], $0x5C00  }
0x165: {  	[sflag:s13] =	ssyncset.done $0x0  }
0x166: {  	s30 =	simm.s32 $0x6880;
	[sflag:s13] =	ssyncadd.s32 $0xFFFFA400  }
0x167: {  	v0 =	vld [tilespmem:s30+$0xFFFFFF00];
	_ =	sdelay $0x1  }
0x168: {  	s31 =	simm.s32 $0x9600;
	s18 =	simm.s32 $0x4B00  }
0x169: {  	s20 =	sand.u32 $0xF800, s31;
	s21 =	sand.u32 $0x380, s18  }
0x16a: {  	s20 =	sor.u32 s21, s20  }
0x16b: {  	[tilespmem:s20+$0xCB80] =	vst v0  }
0x16c: {  	v0 =	vld [tilespmem:s30+$0xFFFFFF10];
	_ =	sdelay $0x4  }
0x16d: {  	[tilespmem:s20+$0xCB90] =	vst v0  }
0x16e: {  	v0 =	vld [tilespmem:s30+$0xFFFFFF20];
	_ =	sdelay $0x4  }
0x16f: {  	[tilespmem:s20+$0xCBA0] =	vst v0  }
0x170: {  	v0 =	vld [tilespmem:s30+$0xFFFFFF30];
	_ =	sdelay $0x4  }
0x171: {  	[tilespmem:s20+$0xCBB0] =	vst v0  }
0x172: {  	v0 =	vld [tilespmem:s30+$0xFFFFFF80];
	_ =	sdelay $0x4  }
0x173: {  	[tilespmem:s20+$0xCBC0] =	vst v0  }
0x174: {  	v0 =	vld [tilespmem:s30+$0xFFFFFF90];
	_ =	sdelay $0x4  }
0x175: {  	[tilespmem:s20+$0xCBD0] =	vst v0  }
0x176: {  	v0 =	vld [tilespmem:s30+$0xFFFFFFA0];
	_ =	sdelay $0x4  }
0x177: {  	[tilespmem:s20+$0xCBE0] =	vst v0  }
0x178: {  	v0 =	vld [tilespmem:s30+$0xFFFFFFB0];
	_ =	sdelay $0x4  }
0x179: {  	[tilespmem:s20+$0xCBF0] =	vst v0  }
0x17a: {  	v0 =	vld [tilespmem:s30+$0x0];
	_ =	sdelay $0x4  }
0x17b: {  	[tilespmem:s20+$0xCF80] =	vst v0  }
0x17c: {  	v0 =	vld [tilespmem:s30+$0x10];
	_ =	sdelay $0x4  }
0x17d: {  	[tilespmem:s20+$0xCF90] =	vst v0  }
0x17e: {  	v0 =	vld [tilespmem:s30+$0x20];
	_ =	sdelay $0x4  }
0x17f: {  	[tilespmem:s20+$0xCFA0] =	vst v0  }
0x180: {  	v0 =	vld [tilespmem:s30+$0x30];
	_ =	sdelay $0x4  }
0x181: {  	[tilespmem:s20+$0xCFB0] =	vst v0  }
0x182: {  	v0 =	vld [tilespmem:s30+$0x80];
	_ =	sdelay $0x4  }
0x183: {  	[tilespmem:s20+$0xCFC0] =	vst v0  }
0x184: {  	v0 =	vld [tilespmem:s30+$0x90];
	_ =	sdelay $0x4  }
0x185: {  	[tilespmem:s20+$0xCFD0] =	vst v0  }
0x186: {  	v0 =	vld [tilespmem:s30+$0xA0];
	_ =	sdelay $0x4  }
0x187: {  	[tilespmem:s20+$0xCFE0] =	vst v0  }
0x188: {  	v0 =	vld [tilespmem:s30+$0xB0];
	_ =	sdelay $0x4  }
0x189: {  	s19 =	simm.s32 $0x6A80;
	[tilespmem:s20+$0xCFF0] =	vst v0  }
0x18a: {  	s21 =	simm.s32 $0x9800;
	s20 =	simm.s32 $0x9700;
	v0 =	vld [tilespmem:s19+$0xFFFFFF00]  }
.LBB2_8:
0x18b: {  	p0 =	sne.s32 s21, $0xC300  }
0x18c: {  	s18 =	sadd.s32 $0x80, s18  }
0x18d: {  	s22 =	sand.u32 $0xF800, s20;
	s20 =	smov.u32 s21;
	s23 =	sand.u32 $0x380, s18  }
0x18e: {  	s22 =	sor.u32 s23, s22  }
0x18f: {  	[tilespmem:s22+$0xCB80] =	vst v0  }
0x190: {  	v0 =	vld [tilespmem:s19+$0xFFFFFF10];
	_ =	sdelay $0x4  }
0x191: {  	[tilespmem:s22+$0xCB90] =	vst v0  }
0x192: {  	v0 =	vld [tilespmem:s19+$0xFFFFFF20];
	_ =	sdelay $0x4  }
0x193: {  	[tilespmem:s22+$0xCBA0] =	vst v0  }
0x194: {  	v0 =	vld [tilespmem:s19+$0xFFFFFF30];
	_ =	sdelay $0x4  }
0x195: {  	[tilespmem:s22+$0xCBB0] =	vst v0  }
0x196: {  	v0 =	vld [tilespmem:s19+$0xFFFFFF80];
	_ =	sdelay $0x4  }
0x197: {  	[tilespmem:s22+$0xCBC0] =	vst v0  }
0x198: {  	v0 =	vld [tilespmem:s19+$0xFFFFFF90];
	_ =	sdelay $0x4  }
0x199: {  	[tilespmem:s22+$0xCBD0] =	vst v0  }
0x19a: {  	v0 =	vld [tilespmem:s19+$0xFFFFFFA0];
	_ =	sdelay $0x4  }
0x19b: {  	[tilespmem:s22+$0xCBE0] =	vst v0  }
0x19c: {  	v0 =	vld [tilespmem:s19+$0xFFFFFFB0];
	_ =	sdelay $0x4  }
0x19d: {  	[tilespmem:s22+$0xCBF0] =	vst v0  }
0x19e: {  	v0 =	vld [tilespmem:s19+$0x0];
	_ =	sdelay $0x4  }
0x19f: {  	[tilespmem:s22+$0xCF80] =	vst v0  }
0x1a0: {  	v0 =	vld [tilespmem:s19+$0x10];
	_ =	sdelay $0x4  }
0x1a1: {  	[tilespmem:s22+$0xCF90] =	vst v0  }
0x1a2: {  	v0 =	vld [tilespmem:s19+$0x20];
	_ =	sdelay $0x4  }
0x1a3: {  	[tilespmem:s22+$0xCFA0] =	vst v0  }
0x1a4: {  	v0 =	vld [tilespmem:s19+$0x30];
	_ =	sdelay $0x4  }
0x1a5: {  	[tilespmem:s22+$0xCFB0] =	vst v0  }
0x1a6: {  	v0 =	vld [tilespmem:s19+$0x80];
	_ =	sdelay $0x4  }
0x1a7: {  	[tilespmem:s22+$0xCFC0] =	vst v0  }
0x1a8: {  	v0 =	vld [tilespmem:s19+$0x90];
	_ =	sdelay $0x4  }
0x1a9: {  	[tilespmem:s22+$0xCFD0] =	vst v0  }
0x1aa: {  	v0 =	vld [tilespmem:s19+$0xA0];
	_ =	sdelay $0x4  }
0x1ab: {  	[tilespmem:s22+$0xCFE0] =	vst v0  }
0x1ac: {  	v0 =	vld [tilespmem:s19+$0xB0];
	_ =	sdelay $0x1  }
.Ltmp3:
0x1ad: {  	(pc) =	sbr.rel @p0 .LBB2_8-.Ltmp3, $3  }
0x1ae: {  	_ =	sdelay $0x1  }
0x1af: {  	s19 =	sadd.s32 $0x200, s19;
	[tilespmem:s22+$0xCFF0] =	vst v0  }
0x1b0: {  	s21 =	sadd.s32 $0x100, s21;
	v0 =	vld [tilespmem:s19+$0xFFFFFF00]  }
0x1b1: {  	_ = 	snop  }
0x1b2: {  	s18 =	sadd.s32 $0x80, s18  }
0x1b3: {  	s20 =	sand.u32 $0xF800, s20;
	s18 =	sand.u32 $0x380, s18  }
0x1b4: {  	s18 =	sor.u32 s18, s20  }
0x1b5: {  	[tilespmem:s18+$0xCB80] =	vst v0  }
0x1b6: {  	v0 =	vld [tilespmem:s19+$0xFFFFFF10];
	_ =	sdelay $0x4  }
0x1b7: {  	[tilespmem:s18+$0xCB90] =	vst v0  }
0x1b8: {  	v0 =	vld [tilespmem:s19+$0xFFFFFF20];
	_ =	sdelay $0x4  }
0x1b9: {  	[tilespmem:s18+$0xCBA0] =	vst v0  }
0x1ba: {  	v0 =	vld [tilespmem:s19+$0xFFFFFF30];
	_ =	sdelay $0x4  }
0x1bb: {  	[tilespmem:s18+$0xCBB0] =	vst v0  }
0x1bc: {  	v0 =	vld [tilespmem:s19+$0xFFFFFF80];
	_ =	sdelay $0x4  }
0x1bd: {  	[tilespmem:s18+$0xCBC0] =	vst v0  }
0x1be: {  	v0 =	vld [tilespmem:s19+$0xFFFFFF90];
	_ =	sdelay $0x4  }
0x1bf: {  	[tilespmem:s18+$0xCBD0] =	vst v0  }
0x1c0: {  	v0 =	vld [tilespmem:s19+$0xFFFFFFA0];
	_ =	sdelay $0x4  }
0x1c1: {  	[tilespmem:s18+$0xCBE0] =	vst v0  }
0x1c2: {  	v0 =	vld [tilespmem:s19+$0xFFFFFFB0];
	_ =	sdelay $0x4  }
0x1c3: {  	[tilespmem:s18+$0xCBF0] =	vst v0  }
0x1c4: {  	v0 =	vld [tilespmem:s19+$0x0];
	_ =	sdelay $0x4  }
0x1c5: {  	[tilespmem:s18+$0xCF80] =	vst v0  }
0x1c6: {  	v0 =	vld [tilespmem:s19+$0x10];
	_ =	sdelay $0x4  }
0x1c7: {  	[tilespmem:s18+$0xCF90] =	vst v0  }
0x1c8: {  	v0 =	vld [tilespmem:s19+$0x20];
	_ =	sdelay $0x4  }
0x1c9: {  	[tilespmem:s18+$0xCFA0] =	vst v0  }
0x1ca: {  	v0 =	vld [tilespmem:s19+$0x30];
	_ =	sdelay $0x4  }
0x1cb: {  	[tilespmem:s18+$0xCFB0] =	vst v0  }
0x1cc: {  	v0 =	vld [tilespmem:s19+$0x80];
	_ =	sdelay $0x4  }
0x1cd: {  	[tilespmem:s18+$0xCFC0] =	vst v0  }
0x1ce: {  	v0 =	vld [tilespmem:s19+$0x90];
	_ =	sdelay $0x4  }
0x1cf: {  	[tilespmem:s18+$0xCFD0] =	vst v0  }
0x1d0: {  	v0 =	vld [tilespmem:s19+$0xA0];
	_ =	sdelay $0x4  }
0x1d1: {  	[tilespmem:s18+$0xCFE0] =	vst v0  }
0x1d2: {  	v0 =	vld [tilespmem:s19+$0xB0];
	_ =	sdelay $0x2  }
0x1d3: {  	s17 =	sadd.s32 $0x1, s17  }
0x1d4: {  	p0 =	sne.s32 s17, s6  }
.Ltmp4:
0x1d5: {  	[tilespmem:s18+$0xCFF0] =	vst v0;
	(pc) =	sbr.rel @p0 .LBB2_1-.Ltmp4, $4  }
0x1d6: {  	[hbm4b:s5+s3] =	stream.linear.scatter [tilespmem:s16], [sflag:$0x3], $0xC800, $0x38;
	[tilespmem:$0x19380] =	vst v63  }
0x1d7: {  	_ =	swait.ge [sflag:s7], $0xC800  }
0x1d8: {  	[sflag:s7] =	ssyncset.done $0x0  }
0x1d9: {  	[sflag:s7] =	ssyncadd.s32 $0xFFFF3800  }
0x1da: {  	_ =	sfence.sel $0x180000  }
0x1db: {  	[bflag:$0x0] =	sbarrier.arrive $0xFFFF  }
0x1dc: {  	p0 =	sne.s32 s0, $0x0;
	_ =	strace $0x90000047  }
0x1dd: {  	s0 =	sadd.s32 @!p0 $0x100000, s1;
	[bflag:$0x2] =	sbarrier.arrive $0xFFFF  }
0x1de: {  	[sflag:s0] =	ssyncadd.tile.s32 @!p0 $0x1;
	_ =	shalt  }
.Lfunc_end2:
_tile_overlayer_lowered:
.L_overlay_start_2:
0x1df: {  	(tag) =	ssettag $0x2  }
0x1e0: {  	s0 =	rddreg [dreg:$0x0];
	s2 =	stileid.u32  }
0x1e1: {  	s1 =	rddreg [dreg:$0x1];
	p0 =	sne.s32 s2, $0x0  }
0x1e2: {  	s3 =	rddreg [dreg:$0x2];
	[bflag:$0x3] =	sbarrier.arrive $0xFFFF;
	s2 =	simm.s32 @!p0 $0x1C03  }
0x1e3: {  	[timem:s3], [sflag:s2] =	dma.local @!p0 [hbm:s0], s1  }
0x1e4: {  	s0 =	simm.s32 @!p0 $0x3  }
0x1e5: {  	_ =	swait.ge @!p0 [sflag:s0], s1  }
0x1e6: {  	s1 =	ssub.s32 @!p0 $0x0, s1;
	[sflag:s0] =	ssyncset.done @!p0 $0x0  }
0x1e7: {  	[sflag:s0] =	ssyncadd.s32 @!p0 s1  }
0x1e8: {  	[bflag:$0x3] =	sbarrier.arrive $0xFFFF  }
0x1e9: {  	_ =	shalt  }

</sc_bundles>
